<compile_context>
chip_gen: v7x
topology: tpu7x:2x2x1
jax: 0.10.2.dev20260603
libtpu: 0.0.44.dev20260713+nightly
codegen_flags: <defaults>
</compile_context>

<pallas_src>
import functools

import jax
import jax.numpy as jnp
from jax import lax
from jax.experimental import pallas as pl
from jax.experimental.pallas import tpu as pltpu
from jax.experimental.pallas import tpu_sc as plsc

_N = 10000
_D = 128
_E = 320000
_K = 2

_NW = 32
_NPAD = 10240
_NT = _NPAD // 16
_EC = _E // _NW
_VL = 16


def _matvec(x, W):

    def body(x_ref, w_ref, o_ref):
        o_ref[...] = jnp.sum(x_ref[...] * w_ref[...], axis=1, keepdims=True)

    return pl.pallas_call(
        body,
        grid=(10,),
        in_specs=[
            pl.BlockSpec((_N // 10, _D), lambda i: (i, 0)),
            pl.BlockSpec((1, _D), lambda i: (0, 0)),
        ],
        out_specs=pl.BlockSpec((_N // 10, 1), lambda i: (i, 0)),
        out_shape=jax.ShapeDtypeStruct((_N, 1), jnp.float32),
    )(x, W)


def _sc_propagate(eiv, y0, onesv):
    mesh = plsc.VectorSubcoreMesh(
        core_axis_name="c", subcore_axis_name="s", num_cores=2
    )

    @functools.partial(
        pl.kernel,
        out_type=[
            jax.ShapeDtypeStruct((_NPAD,), jnp.float32),
            jax.ShapeDtypeStruct((2 * _NPAD,), jnp.float32),
        ],
        mesh=mesh,
        scratch_types=[
            pltpu.VMEM((_EC,), jnp.int32),
            pltpu.VMEM((_EC,), jnp.int32),
            pltpu.VMEM((_EC,), jnp.float32),
            pltpu.VMEM((_NT,), jnp.float32),
            pltpu.VMEM((_NT,), jnp.float32),
            pltpu.VMEM((_NT,), jnp.float32),
            pltpu.VMEM((_NT,), jnp.float32),
            pltpu.VMEM((_NT,), jnp.float32),
            pltpu.VMEM((_NT,), jnp.float32),
            pltpu.VMEM_SHARED((_NPAD,), jnp.float32),
            pltpu.VMEM_SHARED((_NPAD,), jnp.float32),
            pltpu.SemaphoreType.DMA,
            pltpu.SemaphoreType.REGULAR,
        ],
    )
    def run(ei_hbm, y0_hbm, ones_hbm,
            out_hbm, xch_hbm,
            src_t, dst_t, vals, y_t, z_t, dinv_t, tmp2_t, tmp3_t,
            zer_t, acc_sh, z_sh, dma_sem, xsem):
        cid = lax.axis_index("c")
        sid = lax.axis_index("s")
        wid = cid * 16 + sid
        nb = sid * _NT
        ebase = wid * _EC

        def xbarrier():
            pl.semaphore_signal(xsem, 1, core_index=1 - cid)
            pl.semaphore_wait(xsem, 1)

        def combine_and_rezero(rezero):
            pltpu.sync_copy(acc_sh.at[pl.ds(nb, _NT)], tmp3_t)
            pltpu.sync_copy(tmp3_t, xch_hbm.at[pl.ds(cid * _NPAD + nb, _NT)])
            xbarrier()
            cp_in = pltpu.async_copy(
                xch_hbm.at[pl.ds((1 - cid) * _NPAD + nb, _NT)], tmp2_t,
                dma_sem)
            if rezero:
                pltpu.sync_copy(zer_t, acc_sh.at[pl.ds(nb, _NT)])
            cp_in.wait()

        cp_dst = pltpu.async_copy(ei_hbm.at[pl.ds(_E + ebase, _EC)], dst_t,
                                  dma_sem)
        cp_ones = pltpu.async_copy(ones_hbm, vals, dma_sem)
        cp_src = pltpu.async_copy(ei_hbm.at[pl.ds(ebase, _EC)], src_t, dma_sem)
        cp_y0 = pltpu.async_copy(y0_hbm.at[pl.ds(nb, _NT)], y_t, dma_sem)

        def fill_zeros(i, _):
            for u in range(4):
                zer_t[pl.ds(i * 4 * _VL + u * _VL, _VL)] = (
                    jnp.zeros((_VL,), jnp.float32))
            return 0

        lax.fori_loop(0, _NT // (4 * _VL), fill_zeros, 0)
        pltpu.sync_copy(zer_t, acc_sh.at[pl.ds(nb, _NT)])
        cp_dst.wait()
        cp_ones.wait()
        plsc.subcore_barrier()

        cp_deg = pltpu.async_copy(vals, acc_sh.at[dst_t], dma_sem, add=True)
        cp_src.wait()
        cp_y0.wait()
        cp_deg.wait()
        plsc.subcore_barrier()

        combine_and_rezero(rezero=True)

        def mk_dinv(i, _):
            for u in range(4):
                s = pl.ds(i * 4 * _VL + u * _VL, _VL)
                dg = tmp3_t[s] + tmp2_t[s] + 1.0
                bits = lax.bitcast_convert_type(dg, jnp.int32)
                bits = 0x5F3759DF - lax.shift_right_arithmetic(bits, 1)
                r = lax.bitcast_convert_type(bits, jnp.float32)
                for _ in range(3):
                    r = r * (1.5 - 0.5 * dg * r * r)
                dinv_t[s] = r
                z_t[s] = r * y_t[s]
            return 0

        lax.fori_loop(0, _NT // (4 * _VL), mk_dinv, 0)
        pltpu.sync_copy(z_t, z_sh.at[pl.ds(nb, _NT)])
        plsc.subcore_barrier()

        for k in range(_K):
            h = _EC // 2
            g0 = pltpu.async_copy(z_sh.at[src_t.at[pl.ds(0, h)]],
                                  vals.at[pl.ds(0, h)], dma_sem)
            g1 = pltpu.async_copy(z_sh.at[src_t.at[pl.ds(h, h)]],
                                  vals.at[pl.ds(h, h)], dma_sem)
            g0.wait()
            s0 = pltpu.async_copy(vals.at[pl.ds(0, h)],
                                  acc_sh.at[dst_t.at[pl.ds(0, h)]],
                                  dma_sem, add=True)
            g1.wait()
            s1 = pltpu.async_copy(vals.at[pl.ds(h, h)],
                                  acc_sh.at[dst_t.at[pl.ds(h, h)]],
                                  dma_sem, add=True)
            s0.wait()
            s1.wait()
            plsc.subcore_barrier()

            if k < _K - 1:
                combine_and_rezero(rezero=True)
                def upd_yz(i, _):
                    for u in range(4):
                        s = pl.ds(i * 4 * _VL + u * _VL, _VL)
                        yv = dinv_t[s] * (tmp3_t[s] + tmp2_t[s] + z_t[s])
                        y_t[s] = yv
                        z_t[s] = dinv_t[s] * yv
                    return 0

                lax.fori_loop(0, _NT // (4 * _VL), upd_yz, 0)
                pltpu.sync_copy(z_t, z_sh.at[pl.ds(nb, _NT)])
                plsc.subcore_barrier()
            else:
                @pl.when(cid == 1)
                def _():
                    pltpu.sync_copy(acc_sh.at[pl.ds(nb, _NT)], tmp3_t)
                    pltpu.sync_copy(tmp3_t,
                                    xch_hbm.at[pl.ds(_NPAD + nb, _NT)])
                xbarrier()

                @pl.when(cid == 0)
                def _():
                    cp_in = pltpu.async_copy(
                        xch_hbm.at[pl.ds(_NPAD + nb, _NT)], tmp2_t, dma_sem)
                    pltpu.sync_copy(acc_sh.at[pl.ds(nb, _NT)], tmp3_t)
                    cp_in.wait()

                def upd_y(i, _):
                    for u in range(4):
                        s = pl.ds(i * 4 * _VL + u * _VL, _VL)
                        y_t[s] = dinv_t[s] * (tmp3_t[s] + tmp2_t[s] + z_t[s])
                    return 0

                lax.fori_loop(0, _NT // (4 * _VL), upd_y, 0)

                @pl.when(cid == 0)
                def _():
                    pltpu.sync_copy(y_t, out_hbm.at[pl.ds(nb, _NT)])

    return run(eiv, y0, onesv)[0]


def kernel(x, edge_index, W, b):
    eiv = edge_index.astype(jnp.int32).reshape(2 * _E)
    y0 = _matvec(x, W).reshape(_N)
    y0p = jnp.pad(y0, (0, _NPAD - _N))
    onesv = jnp.ones((_EC,), jnp.float32)
    out = _sc_propagate(eiv, y0p, onesv)
    return out[:_N] + b[0]

# --- scband reference (transcript-rebuilt; emitter-appended) ---
"""Pipeline reference for scband-sgc-91250875171026 (READ-ONLY COPY).

The authoritative reference and input builder live on the scoring server;
editing this copy changes nothing except your own understanding.
"""

import jax, jax.numpy as jnp
import numpy as np

N = 10000
D = 128
E = 320000
K = 2


def setup_inputs(seed: int = 0) -> dict:
    key = jax.random.key(seed)
    k1, k2, k3 = jax.random.split(key, 3)
    x = jax.random.normal(k1, (N, D), dtype=jnp.float32)
    edge_index = jax.random.randint(k2, (2, E), 0, N, dtype=jnp.int64)
    # SGConv linear: in_feats=128 -> out=1
    W = jax.random.normal(k3, (1, D), dtype=jnp.float32) * 0.05
    b = jnp.zeros((1,), dtype=jnp.float32)
    return {"x": x, "edge_index": edge_index, "W": W, "b": b}


def reference(x, edge_index, W, b):
    # PyG SGConv with K=2, sym gcn_norm, add_self_loops=True, linear applied after propagation
    src = edge_index[0]
    dst = edge_index[1]
    loop = jnp.arange(N, dtype=edge_index.dtype)
    src = jnp.concatenate([src, loop])
    dst = jnp.concatenate([dst, loop])
    ew = jnp.ones(src.shape[0], dtype=x.dtype)
    deg = jnp.zeros((N,), dtype=x.dtype).at[dst].add(ew)
    dinv = jnp.where(deg > 0, deg ** -0.5, 0.0)
    norm = dinv[src] * ew * dinv[dst]
    h = x
    for _ in range(K):
        msg = h[src] * norm[:, None]
        h = jnp.zeros((N, D), dtype=x.dtype).at[dst].add(msg)
    out = h @ W.T + b
    return out.reshape(-1)

if __name__ == "__main__":
    import jax
    _d = setup_inputs()
    print(jax.jit(kernel)(*tuple(_d.values())))

</pallas_src>

<mosaic_0001>
#map = affine_map<(d0, d1) -> (0)>
module attributes {stable_mosaic.version = 14 : i64} {
  func.func @run(%arg0: i32, %arg1: i32, %arg2: memref<640000xi32, #tpu.memory_space<hbm>>, %arg3: memref<10240xf32, #tpu.memory_space<hbm>>, %arg4: memref<10000xf32, #tpu.memory_space<hbm>>, %arg5: memref<10240xf32, #tpu.memory_space<hbm>>, %arg6: memref<20480xf32, #tpu.memory_space<hbm>>, %arg7: memref<10000xi32, #tpu.memory_space<vmem>>, %arg8: memref<10000xi32, #tpu.memory_space<vmem>>, %arg9: memref<10000xf32, #tpu.memory_space<vmem>>, %arg10: memref<640xf32, #tpu.memory_space<vmem>>, %arg11: memref<640xf32, #tpu.memory_space<vmem>>, %arg12: memref<640xf32, #tpu.memory_space<vmem>>, %arg13: memref<640xf32, #tpu.memory_space<vmem>>, %arg14: memref<640xf32, #tpu.memory_space<vmem>>, %arg15: memref<640xf32, #tpu.memory_space<vmem>>, %arg16: memref<10240xf32, #tpu.memory_space<vmem_shared>>, %arg17: memref<10240xf32, #tpu.memory_space<vmem_shared>>, %arg18: memref<!tpu.dma_semaphore, #tpu.memory_space<semaphore_mem>>, %arg19: memref<!tpu.semaphore, #tpu.memory_space<semaphore_mem>>) attributes {dimension_semantics = [#tpu.dimension_semantics<core_parallel>, #tpu.dimension_semantics<subcore_parallel>], iteration_bounds = array<i64: 2, 16>, scalar_prefetch = 0 : i64, scratch_operands = 13 : i64, tpu.core_type = #tpu.core_type<sc_vector_subcore>, window_params = [{transform_indices = #map}, {transform_indices = #map}, {transform_indices = #map}, {transform_indices = #map}, {transform_indices = #map}]} {
    %mul3A = arith.constant 16 : i32
    %mul3A_0 = arith.muli %arg0, %mul3A : i32
    %add3A = arith.addi %mul3A_0, %arg1 : i32
    %mul3A_1 = arith.constant 640 : i32
    %mul3A_2 = arith.muli %arg1, %mul3A_1 : i32
    %mul3A_3 = arith.constant 10000 : i32
    %mul3A_4 = arith.muli %add3A, %mul3A_3 : i32
    %add3A_5 = arith.constant 320000 : i32
    %add3A_6 = arith.addi %add3A_5, %mul3A_4 : i32
    %dma_start3A = tpu.memref_slice %arg2[%add3A_6] : memref<640000xi32, #tpu.memory_space<hbm>> -> memref<10000xi32, #tpu.memory_space<hbm>>
    %dma_start3A_7 = tpu.memref_slice %arg2[%add3A_6] : memref<640000xi32, #tpu.memory_space<hbm>> -> memref<10000xi32, #tpu.memory_space<hbm>>
    tpu.enqueue_dma source(%dma_start3A_7 : memref<10000xi32, #tpu.memory_space<hbm>>) target(%arg8 : memref<10000xi32, #tpu.memory_space<vmem>>) target_semaphore(%arg18 : memref<!tpu.dma_semaphore, #tpu.memory_space<semaphore_mem>>)
    tpu.enqueue_dma source(%arg4 : memref<10000xf32, #tpu.memory_space<hbm>>) target(%arg9 : memref<10000xf32, #tpu.memory_space<vmem>>) target_semaphore(%arg18 : memref<!tpu.dma_semaphore, #tpu.memory_space<semaphore_mem>>)
    %dma_start3A_8 = tpu.memref_slice %arg2[%mul3A_4] : memref<640000xi32, #tpu.memory_space<hbm>> -> memref<10000xi32, #tpu.memory_space<hbm>>
    %dma_start3A_9 = tpu.memref_slice %arg2[%mul3A_4] : memref<640000xi32, #tpu.memory_space<hbm>> -> memref<10000xi32, #tpu.memory_space<hbm>>
    tpu.enqueue_dma source(%dma_start3A_9 : memref<10000xi32, #tpu.memory_space<hbm>>) target(%arg7 : memref<10000xi32, #tpu.memory_space<vmem>>) target_semaphore(%arg18 : memref<!tpu.dma_semaphore, #tpu.memory_space<semaphore_mem>>)
    %dma_start3A_10 = tpu.memref_slice %arg3[%mul3A_2] : memref<10240xf32, #tpu.memory_space<hbm>> -> memref<640xf32, #tpu.memory_space<hbm>>
    %dma_start3A_11 = tpu.memref_slice %arg3[%mul3A_2] : memref<10240xf32, #tpu.memory_space<hbm>> -> memref<640xf32, #tpu.memory_space<hbm>>
    tpu.enqueue_dma source(%dma_start3A_11 : memref<640xf32, #tpu.memory_space<hbm>>) target(%arg10 : memref<640xf32, #tpu.memory_space<vmem>>) target_semaphore(%arg18 : memref<!tpu.dma_semaphore, #tpu.memory_space<semaphore_mem>>)
    %scan3A = arith.constant 0 : i32
    %scan3A_12 = arith.constant 0 : i32
    %scan3A_13 = arith.constant 10 : i32
    %scan3A_14 = arith.addi %scan3A_12, %scan3A_13 : i32
    %scan3A_15 = arith.constant 1 : i32
    %scan3A_16 = scf.for %scan3A_197 = %scan3A_12 to %scan3A_14 step %scan3A_15 iter_args(%scan3A_198 = %scan3A) -> (i32)  : i32 {
      %broadcast_in_dim3A = arith.constant 0.000000e+00 : f32
      %broadcast_in_dim3A_199 = vector.broadcast %broadcast_in_dim3A : f32 to vector<16xf32>
      %mul3A_200 = arith.constant 4 : i32
      %mul3A_201 = arith.muli %scan3A_197, %mul3A_200 : i32
      %mul3A_202 = arith.constant 16 : i32
      %mul3A_203 = arith.muli %mul3A_201, %mul3A_202 : i32
      %add3A_204 = arith.constant 0 : i32
      %add3A_205 = arith.addi %mul3A_203, %add3A_204 : i32
      %swap3A = arith.index_cast %add3A_205 : i32 to index
      %swap3A_206 = tpu.vector_load %arg15[%swap3A] {strides = array<i32>} : memref<640xf32, #tpu.memory_space<vmem>>, vector<16xf32>,
      %swap3A_207 = vector.shape_cast %swap3A_206 : vector<16xf32> to vector<16xf32>
      %swap3A_208 = vector.shape_cast %broadcast_in_dim3A_199 : vector<16xf32> to vector<16xf32>
      tpu.vector_store %arg15[%swap3A], %swap3A_208 {strides = array<i32>} : memref<640xf32, #tpu.memory_space<vmem>>, vector<16xf32>,
      %broadcast_in_dim3A_209 = arith.constant 0.000000e+00 : f32
      %broadcast_in_dim3A_210 = vector.broadcast %broadcast_in_dim3A_209 : f32 to vector<16xf32>
      %mul3A_211 = arith.constant 4 : i32
      %mul3A_212 = arith.muli %scan3A_197, %mul3A_211 : i32
      %mul3A_213 = arith.constant 16 : i32
      %mul3A_214 = arith.muli %mul3A_212, %mul3A_213 : i32
      %add3A_215 = arith.constant 16 : i32
      %add3A_216 = arith.addi %mul3A_214, %add3A_215 : i32
      %swap3A_217 = arith.index_cast %add3A_216 : i32 to index
      %swap3A_218 = tpu.vector_load %arg15[%swap3A_217] {strides = array<i32>} : memref<640xf32, #tpu.memory_space<vmem>>, vector<16xf32>,
      %swap3A_219 = vector.shape_cast %swap3A_218 : vector<16xf32> to vector<16xf32>
      %swap3A_220 = vector.shape_cast %broadcast_in_dim3A_210 : vector<16xf32> to vector<16xf32>
      tpu.vector_store %arg15[%swap3A_217], %swap3A_220 {strides = array<i32>} : memref<640xf32, #tpu.memory_space<vmem>>, vector<16xf32>,
      %broadcast_in_dim3A_221 = arith.constant 0.000000e+00 : f32
      %broadcast_in_dim3A_222 = vector.broadcast %broadcast_in_dim3A_221 : f32 to vector<16xf32>
      %mul3A_223 = arith.constant 4 : i32
      %mul3A_224 = arith.muli %scan3A_197, %mul3A_223 : i32
      %mul3A_225 = arith.constant 16 : i32
      %mul3A_226 = arith.muli %mul3A_224, %mul3A_225 : i32
      %add3A_227 = arith.constant 32 : i32
      %add3A_228 = arith.addi %mul3A_226, %add3A_227 : i32
      %swap3A_229 = arith.index_cast %add3A_228 : i32 to index
      %swap3A_230 = tpu.vector_load %arg15[%swap3A_229] {strides = array<i32>} : memref<640xf32, #tpu.memory_space<vmem>>, vector<16xf32>,
      %swap3A_231 = vector.shape_cast %swap3A_230 : vector<16xf32> to vector<16xf32>
      %swap3A_232 = vector.shape_cast %broadcast_in_dim3A_222 : vector<16xf32> to vector<16xf32>
      tpu.vector_store %arg15[%swap3A_229], %swap3A_232 {strides = array<i32>} : memref<640xf32, #tpu.memory_space<vmem>>, vector<16xf32>,
      %broadcast_in_dim3A_233 = arith.constant 0.000000e+00 : f32
      %broadcast_in_dim3A_234 = vector.broadcast %broadcast_in_dim3A_233 : f32 to vector<16xf32>
      %mul3A_235 = arith.constant 4 : i32
      %mul3A_236 = arith.muli %scan3A_197, %mul3A_235 : i32
      %mul3A_237 = arith.constant 16 : i32
      %mul3A_238 = arith.muli %mul3A_236, %mul3A_237 : i32
      %add3A_239 = arith.constant 48 : i32
      %add3A_240 = arith.addi %mul3A_238, %add3A_239 : i32
      %swap3A_241 = arith.index_cast %add3A_240 : i32 to index
      %swap3A_242 = tpu.vector_load %arg15[%swap3A_241] {strides = array<i32>} : memref<640xf32, #tpu.memory_space<vmem>>, vector<16xf32>,
      %swap3A_243 = vector.shape_cast %swap3A_242 : vector<16xf32> to vector<16xf32>
      %swap3A_244 = vector.shape_cast %broadcast_in_dim3A_234 : vector<16xf32> to vector<16xf32>
      tpu.vector_store %arg15[%swap3A_241], %swap3A_244 {strides = array<i32>} : memref<640xf32, #tpu.memory_space<vmem>>, vector<16xf32>,
      %scan3A_245 = arith.constant 0 : i32
      scf.yield %scan3A_245 : i32
    }
    %scan3A_17 = arith.constant 10 : i32
    "tpu.region"() ({
      %run_scoped3A = tpu.sem_alloc : memref<!tpu.dma_semaphore, #tpu.memory_space<semaphore_mem>>
      %dma_start3A_197 = tpu.memref_slice %arg16[%mul3A_2] : memref<10240xf32, #tpu.memory_space<vmem_shared>> -> memref<640xf32, #tpu.memory_space<vmem_shared>>
      %dma_start3A_198 = tpu.memref_slice %arg16[%mul3A_2] : memref<10240xf32, #tpu.memory_space<vmem_shared>> -> memref<640xf32, #tpu.memory_space<vmem_shared>>
      tpu.enqueue_dma source(%arg15 : memref<640xf32, #tpu.memory_space<vmem>>) target(%dma_start3A_198 : memref<640xf32, #tpu.memory_space<vmem_shared>>) target_semaphore(%run_scoped3A : memref<!tpu.dma_semaphore, #tpu.memory_space<semaphore_mem>>)
      %dma_wait3A_199 = tpu.memref_slice %arg16[%mul3A_2] : memref<10240xf32, #tpu.memory_space<vmem_shared>> -> memref<640xf32, #tpu.memory_space<vmem_shared>>
      %dma_wait3A_200 = tpu.memref_slice %arg16[%mul3A_2] : memref<10240xf32, #tpu.memory_space<vmem_shared>> -> memref<640xf32, #tpu.memory_space<vmem_shared>>
      tpu.wait_dma2 semaphore(%run_scoped3A : memref<!tpu.dma_semaphore, #tpu.memory_space<semaphore_mem>>) src(%arg15 : memref<640xf32, #tpu.memory_space<vmem>>) dst(%dma_wait3A_200 : memref<640xf32, #tpu.memory_space<vmem_shared>>)
      tpu.yield
    }) : () -> ()
    %dma_wait3A = tpu.memref_slice %arg2[%add3A_6] : memref<640000xi32, #tpu.memory_space<hbm>> -> memref<10000xi32, #tpu.memory_space<hbm>>
    %dma_wait3A_18 = tpu.memref_slice %arg2[%add3A_6] : memref<640000xi32, #tpu.memory_space<hbm>> -> memref<10000xi32, #tpu.memory_space<hbm>>
    tpu.wait_dma2 semaphore(%arg18 : memref<!tpu.dma_semaphore, #tpu.memory_space<semaphore_mem>>) src(%dma_wait3A_18 : memref<10000xi32, #tpu.memory_space<hbm>>) dst(%arg8 : memref<10000xi32, #tpu.memory_space<vmem>>)
    tpu.wait_dma2 semaphore(%arg18 : memref<!tpu.dma_semaphore, #tpu.memory_space<semaphore_mem>>) src(%arg4 : memref<10000xf32, #tpu.memory_space<hbm>>) dst(%arg9 : memref<10000xf32, #tpu.memory_space<vmem>>)
    %barrier3A = arith.constant 0 : index
    tpu.barrier barrier_id(%barrier3A)
    %dma_start3A_19 = arith.constant 0 : i32
    %dma_start3A_20 = tpu.memref_slice %arg16[%dma_start3A_19] : memref<10240xf32, #tpu.memory_space<vmem_shared>> -> memref<10240xf32, #tpu.memory_space<vmem_shared>>
    tpu.enqueue_indirect_dma source(%arg9 : memref<10000xf32, #tpu.memory_space<vmem>>) target(%dma_start3A_20 : memref<10240xf32, #tpu.memory_space<vmem_shared>>) offsets(%arg8 : memref<10000xi32, #tpu.memory_space<vmem>>) semaphore(%arg18 : memref<!tpu.dma_semaphore, #tpu.memory_space<semaphore_mem>>) {add = true}
    %dma_wait3A_21 = tpu.memref_slice %arg2[%mul3A_4] : memref<640000xi32, #tpu.memory_space<hbm>> -> memref<10000xi32, #tpu.memory_space<hbm>>
    %dma_wait3A_22 = tpu.memref_slice %arg2[%mul3A_4] : memref<640000xi32, #tpu.memory_space<hbm>> -> memref<10000xi32, #tpu.memory_space<hbm>>
    tpu.wait_dma2 semaphore(%arg18 : memref<!tpu.dma_semaphore, #tpu.memory_space<semaphore_mem>>) src(%dma_wait3A_22 : memref<10000xi32, #tpu.memory_space<hbm>>) dst(%arg7 : memref<10000xi32, #tpu.memory_space<vmem>>)
    %dma_wait3A_23 = tpu.memref_slice %arg3[%mul3A_2] : memref<10240xf32, #tpu.memory_space<hbm>> -> memref<640xf32, #tpu.memory_space<hbm>>
    %dma_wait3A_24 = tpu.memref_slice %arg3[%mul3A_2] : memref<10240xf32, #tpu.memory_space<hbm>> -> memref<640xf32, #tpu.memory_space<hbm>>
    tpu.wait_dma2 semaphore(%arg18 : memref<!tpu.dma_semaphore, #tpu.memory_space<semaphore_mem>>) src(%dma_wait3A_24 : memref<640xf32, #tpu.memory_space<hbm>>) dst(%arg10 : memref<640xf32, #tpu.memory_space<vmem>>)
    %dma_wait3A_25 = arith.constant 0 : i32
    %dma_wait3A_26 = tpu.memref_slice %arg16[%dma_wait3A_25] : memref<10240xf32, #tpu.memory_space<vmem_shared>> -> memref<10240xf32, #tpu.memory_space<vmem_shared>>
    tpu.wait_indirect_dma semaphore(%arg18 : memref<!tpu.dma_semaphore, #tpu.memory_space<semaphore_mem>>) src(%arg9 : memref<10000xf32, #tpu.memory_space<vmem>>) dst(%dma_wait3A_26 : memref<10240xf32, #tpu.memory_space<vmem_shared>>)
    %barrier3A_27 = arith.constant 0 : index
    tpu.barrier barrier_id(%barrier3A_27)
    "tpu.region"() ({
      %run_scoped3A = tpu.sem_alloc : memref<!tpu.dma_semaphore, #tpu.memory_space<semaphore_mem>>
      %dma_start3A_197 = tpu.memref_slice %arg16[%mul3A_2] : memref<10240xf32, #tpu.memory_space<vmem_shared>> -> memref<640xf32, #tpu.memory_space<vmem_shared>>
      %dma_start3A_198 = tpu.memref_slice %arg16[%mul3A_2] : memref<10240xf32, #tpu.memory_space<vmem_shared>> -> memref<640xf32, #tpu.memory_space<vmem_shared>>
      tpu.enqueue_dma source(%dma_start3A_198 : memref<640xf32, #tpu.memory_space<vmem_shared>>) target(%arg14 : memref<640xf32, #tpu.memory_space<vmem>>) target_semaphore(%run_scoped3A : memref<!tpu.dma_semaphore, #tpu.memory_space<semaphore_mem>>)
      %dma_wait3A_199 = tpu.memref_slice %arg16[%mul3A_2] : memref<10240xf32, #tpu.memory_space<vmem_shared>> -> memref<640xf32, #tpu.memory_space<vmem_shared>>
      %dma_wait3A_200 = tpu.memref_slice %arg16[%mul3A_2] : memref<10240xf32, #tpu.memory_space<vmem_shared>> -> memref<640xf32, #tpu.memory_space<vmem_shared>>
      tpu.wait_dma2 semaphore(%run_scoped3A : memref<!tpu.dma_semaphore, #tpu.memory_space<semaphore_mem>>) src(%dma_wait3A_200 : memref<640xf32, #tpu.memory_space<vmem_shared>>) dst(%arg14 : memref<640xf32, #tpu.memory_space<vmem>>)
      tpu.yield
    }) : () -> ()
    %mul3A_28 = arith.constant 10240 : i32
    %mul3A_29 = arith.muli %arg0, %mul3A_28 : i32
    %add3A_30 = arith.addi %mul3A_29, %mul3A_2 : i32
    "tpu.region"() ({
      %run_scoped3A = tpu.sem_alloc : memref<!tpu.dma_semaphore, #tpu.memory_space<semaphore_mem>>
      %dma_start3A_197 = tpu.memref_slice %arg6[%add3A_30] : memref<20480xf32, #tpu.memory_space<hbm>> -> memref<640xf32, #tpu.memory_space<hbm>>
      %dma_start3A_198 = tpu.memref_slice %arg6[%add3A_30] : memref<20480xf32, #tpu.memory_space<hbm>> -> memref<640xf32, #tpu.memory_space<hbm>>
      tpu.enqueue_dma source(%arg14 : memref<640xf32, #tpu.memory_space<vmem>>) target(%dma_start3A_198 : memref<640xf32, #tpu.memory_space<hbm>>) target_semaphore(%run_scoped3A : memref<!tpu.dma_semaphore, #tpu.memory_space<semaphore_mem>>)
      %dma_wait3A_199 = tpu.memref_slice %arg6[%add3A_30] : memref<20480xf32, #tpu.memory_space<hbm>> -> memref<640xf32, #tpu.memory_space<hbm>>
      %dma_wait3A_200 = tpu.memref_slice %arg6[%add3A_30] : memref<20480xf32, #tpu.memory_space<hbm>> -> memref<640xf32, #tpu.memory_space<hbm>>
      tpu.wait_dma2 semaphore(%run_scoped3A : memref<!tpu.dma_semaphore, #tpu.memory_space<semaphore_mem>>) src(%arg14 : memref<640xf32, #tpu.memory_space<vmem>>) dst(%dma_wait3A_200 : memref<640xf32, #tpu.memory_space<hbm>>)
      tpu.yield
    }) : () -> ()
    %sub3A = arith.constant 1 : i32
    %sub3A_31 = arith.subi %sub3A, %arg0 : i32
    %semaphore_signal3A = arith.constant 1 : i32
    tpu.sem_signal %arg19, %semaphore_signal3A core_id %sub3A_31 : memref<!tpu.semaphore, #tpu.memory_space<semaphore_mem>>
    %semaphore_wait3A = arith.constant 1 : i32
    %semaphore_wait3A_32 = arith.constant true
    tpu.sem_wait %arg19, %semaphore_wait3A : memref<!tpu.semaphore, #tpu.memory_space<semaphore_mem>>
    %sub3A_33 = arith.constant 1 : i32
    %sub3A_34 = arith.subi %sub3A_33, %arg0 : i32
    %mul3A_35 = arith.constant 10240 : i32
    %mul3A_36 = arith.muli %sub3A_34, %mul3A_35 : i32
    %add3A_37 = arith.addi %mul3A_36, %mul3A_2 : i32
    %dma_start3A_38 = tpu.memref_slice %arg6[%add3A_37] : memref<20480xf32, #tpu.memory_space<hbm>> -> memref<640xf32, #tpu.memory_space<hbm>>
    %dma_start3A_39 = tpu.memref_slice %arg6[%add3A_37] : memref<20480xf32, #tpu.memory_space<hbm>> -> memref<640xf32, #tpu.memory_space<hbm>>
    tpu.enqueue_dma source(%dma_start3A_39 : memref<640xf32, #tpu.memory_space<hbm>>) target(%arg13 : memref<640xf32, #tpu.memory_space<vmem>>) target_semaphore(%arg18 : memref<!tpu.dma_semaphore, #tpu.memory_space<semaphore_mem>>)
    "tpu.region"() ({
      %run_scoped3A = tpu.sem_alloc : memref<!tpu.dma_semaphore, #tpu.memory_space<semaphore_mem>>
      %dma_start3A_197 = tpu.memref_slice %arg16[%mul3A_2] : memref<10240xf32, #tpu.memory_space<vmem_shared>> -> memref<640xf32, #tpu.memory_space<vmem_shared>>
      %dma_start3A_198 = tpu.memref_slice %arg16[%mul3A_2] : memref<10240xf32, #tpu.memory_space<vmem_shared>> -> memref<640xf32, #tpu.memory_space<vmem_shared>>
      tpu.enqueue_dma source(%arg15 : memref<640xf32, #tpu.memory_space<vmem>>) target(%dma_start3A_198 : memref<640xf32, #tpu.memory_space<vmem_shared>>) target_semaphore(%run_scoped3A : memref<!tpu.dma_semaphore, #tpu.memory_space<semaphore_mem>>)
      %dma_wait3A_199 = tpu.memref_slice %arg16[%mul3A_2] : memref<10240xf32, #tpu.memory_space<vmem_shared>> -> memref<640xf32, #tpu.memory_space<vmem_shared>>
      %dma_wait3A_200 = tpu.memref_slice %arg16[%mul3A_2] : memref<10240xf32, #tpu.memory_space<vmem_shared>> -> memref<640xf32, #tpu.memory_space<vmem_shared>>
      tpu.wait_dma2 semaphore(%run_scoped3A : memref<!tpu.dma_semaphore, #tpu.memory_space<semaphore_mem>>) src(%arg15 : memref<640xf32, #tpu.memory_space<vmem>>) dst(%dma_wait3A_200 : memref<640xf32, #tpu.memory_space<vmem_shared>>)
      tpu.yield
    }) : () -> ()
    %dma_wait3A_40 = tpu.memref_slice %arg6[%add3A_37] : memref<20480xf32, #tpu.memory_space<hbm>> -> memref<640xf32, #tpu.memory_space<hbm>>
    %dma_wait3A_41 = tpu.memref_slice %arg6[%add3A_37] : memref<20480xf32, #tpu.memory_space<hbm>> -> memref<640xf32, #tpu.memory_space<hbm>>
    tpu.wait_dma2 semaphore(%arg18 : memref<!tpu.dma_semaphore, #tpu.memory_space<semaphore_mem>>) src(%dma_wait3A_41 : memref<640xf32, #tpu.memory_space<hbm>>) dst(%arg13 : memref<640xf32, #tpu.memory_space<vmem>>)
    %scan3A_42 = arith.constant 0 : i32
    %scan3A_43 = arith.constant 0 : i32
    %scan3A_44 = arith.constant 10 : i32
    %scan3A_45 = arith.addi %scan3A_43, %scan3A_44 : i32
    %scan3A_46 = arith.constant 1 : i32
    %scan3A_47 = scf.for %scan3A_197 = %scan3A_43 to %scan3A_45 step %scan3A_46 iter_args(%scan3A_198 = %scan3A_42) -> (i32)  : i32 {
      %mul3A_199 = arith.constant 4 : i32
      %mul3A_200 = arith.muli %scan3A_197, %mul3A_199 : i32
      %mul3A_201 = arith.constant 16 : i32
      %mul3A_202 = arith.muli %mul3A_200, %mul3A_201 : i32
      %add3A_203 = arith.constant 0 : i32
      %add3A_204 = arith.addi %mul3A_202, %add3A_203 : i32
      %get3A = arith.index_cast %add3A_204 : i32 to index
      %get3A_205 = tpu.vector_load %arg14[%get3A] {strides = array<i32>} : memref<640xf32, #tpu.memory_space<vmem>>, vector<16xf32>,
      %get3A_206 = vector.shape_cast %get3A_205 : vector<16xf32> to vector<16xf32>
      %get3A_207 = arith.index_cast %add3A_204 : i32 to index
      %get3A_208 = tpu.vector_load %arg13[%get3A_207] {strides = array<i32>} : memref<640xf32, #tpu.memory_space<vmem>>, vector<16xf32>,
      %get3A_209 = vector.shape_cast %get3A_208 : vector<16xf32> to vector<16xf32>
      %add3A_210 = arith.addf %get3A_206, %get3A_209 : vector<16xf32>
      %add3A_211 = arith.constant 1.000000e+00 : f32
      %add3A_212 = vector.broadcast %add3A_211 : f32 to vector<16xf32>
      %add3A_213 = arith.addf %add3A_210, %add3A_212 : vector<16xf32>
      %bitcast_convert_type3A = tpu.bitcast %add3A_213 : vector<16xf32> -> vector<16xi32>
      %shift_right_arithmetic3A = arith.constant 1 : i32
      %shift_right_arithmetic3A_214 = vector.broadcast %shift_right_arithmetic3A : i32 to vector<16xi32>
      %shift_right_arithmetic3A_215 = arith.shrsi %bitcast_convert_type3A, %shift_right_arithmetic3A_214 : vector<16xi32>
      %sub3A_216 = arith.constant 1597463007 : i32
      %sub3A_217 = vector.broadcast %sub3A_216 : i32 to vector<16xi32>
      %sub3A_218 = arith.subi %sub3A_217, %shift_right_arithmetic3A_215 : vector<16xi32>
      %bitcast_convert_type3A_219 = tpu.bitcast %sub3A_218 : vector<16xi32> -> vector<16xf32>
      %mul3A_220 = arith.constant 5.000000e-01 : f32
      %mul3A_221 = vector.broadcast %mul3A_220 : f32 to vector<16xf32>
      %mul3A_222 = arith.mulf %mul3A_221, %add3A_213 : vector<16xf32>
      %mul3A_223 = arith.mulf %mul3A_222, %bitcast_convert_type3A_219 : vector<16xf32>
      %mul3A_224 = arith.mulf %mul3A_223, %bitcast_convert_type3A_219 : vector<16xf32>
      %sub3A_225 = arith.constant 1.500000e+00 : f32
      %sub3A_226 = vector.broadcast %sub3A_225 : f32 to vector<16xf32>
      %sub3A_227 = arith.subf %sub3A_226, %mul3A_224 : vector<16xf32>
      %mul3A_228 = arith.mulf %bitcast_convert_type3A_219, %sub3A_227 : vector<16xf32>
      %mul3A_229 = arith.constant 5.000000e-01 : f32
      %mul3A_230 = vector.broadcast %mul3A_229 : f32 to vector<16xf32>
      %mul3A_231 = arith.mulf %mul3A_230, %add3A_213 : vector<16xf32>
      %mul3A_232 = arith.mulf %mul3A_231, %mul3A_228 : vector<16xf32>
      %mul3A_233 = arith.mulf %mul3A_232, %mul3A_228 : vector<16xf32>
      %sub3A_234 = arith.constant 1.500000e+00 : f32
      %sub3A_235 = vector.broadcast %sub3A_234 : f32 to vector<16xf32>
      %sub3A_236 = arith.subf %sub3A_235, %mul3A_233 : vector<16xf32>
      %mul3A_237 = arith.mulf %mul3A_228, %sub3A_236 : vector<16xf32>
      %mul3A_238 = arith.constant 5.000000e-01 : f32
      %mul3A_239 = vector.broadcast %mul3A_238 : f32 to vector<16xf32>
      %mul3A_240 = arith.mulf %mul3A_239, %add3A_213 : vector<16xf32>
      %mul3A_241 = arith.mulf %mul3A_240, %mul3A_237 : vector<16xf32>
      %mul3A_242 = arith.mulf %mul3A_241, %mul3A_237 : vector<16xf32>
      %sub3A_243 = arith.constant 1.500000e+00 : f32
      %sub3A_244 = vector.broadcast %sub3A_243 : f32 to vector<16xf32>
      %sub3A_245 = arith.subf %sub3A_244, %mul3A_242 : vector<16xf32>
      %mul3A_246 = arith.mulf %mul3A_237, %sub3A_245 : vector<16xf32>
      %swap3A = arith.index_cast %add3A_204 : i32 to index
      %swap3A_247 = tpu.vector_load %arg12[%swap3A] {strides = array<i32>} : memref<640xf32, #tpu.memory_space<vmem>>, vector<16xf32>,
      %swap3A_248 = vector.shape_cast %swap3A_247 : vector<16xf32> to vector<16xf32>
      %swap3A_249 = vector.shape_cast %mul3A_246 : vector<16xf32> to vector<16xf32>
      tpu.vector_store %arg12[%swap3A], %swap3A_249 {strides = array<i32>} : memref<640xf32, #tpu.memory_space<vmem>>, vector<16xf32>,
      %get3A_250 = arith.index_cast %add3A_204 : i32 to index
      %get3A_251 = tpu.vector_load %arg10[%get3A_250] {strides = array<i32>} : memref<640xf32, #tpu.memory_space<vmem>>, vector<16xf32>,
      %get3A_252 = vector.shape_cast %get3A_251 : vector<16xf32> to vector<16xf32>
      %mul3A_253 = arith.mulf %mul3A_246, %get3A_252 : vector<16xf32>
      %swap3A_254 = arith.index_cast %add3A_204 : i32 to index
      %swap3A_255 = tpu.vector_load %arg11[%swap3A_254] {strides = array<i32>} : memref<640xf32, #tpu.memory_space<vmem>>, vector<16xf32>,
      %swap3A_256 = vector.shape_cast %swap3A_255 : vector<16xf32> to vector<16xf32>
      %swap3A_257 = vector.shape_cast %mul3A_253 : vector<16xf32> to vector<16xf32>
      tpu.vector_store %arg11[%swap3A_254], %swap3A_257 {strides = array<i32>} : memref<640xf32, #tpu.memory_space<vmem>>, vector<16xf32>,
      %mul3A_258 = arith.constant 4 : i32
      %mul3A_259 = arith.muli %scan3A_197, %mul3A_258 : i32
      %mul3A_260 = arith.constant 16 : i32
      %mul3A_261 = arith.muli %mul3A_259, %mul3A_260 : i32
      %add3A_262 = arith.constant 16 : i32
      %add3A_263 = arith.addi %mul3A_261, %add3A_262 : i32
      %get3A_264 = arith.index_cast %add3A_263 : i32 to index
      %get3A_265 = tpu.vector_load %arg14[%get3A_264] {strides = array<i32>} : memref<640xf32, #tpu.memory_space<vmem>>, vector<16xf32>,
      %get3A_266 = vector.shape_cast %get3A_265 : vector<16xf32> to vector<16xf32>
      %get3A_267 = arith.index_cast %add3A_263 : i32 to index
      %get3A_268 = tpu.vector_load %arg13[%get3A_267] {strides = array<i32>} : memref<640xf32, #tpu.memory_space<vmem>>, vector<16xf32>,
      %get3A_269 = vector.shape_cast %get3A_268 : vector<16xf32> to vector<16xf32>
      %add3A_270 = arith.addf %get3A_266, %get3A_269 : vector<16xf32>
      %add3A_271 = arith.constant 1.000000e+00 : f32
      %add3A_272 = vector.broadcast %add3A_271 : f32 to vector<16xf32>
      %add3A_273 = arith.addf %add3A_270, %add3A_272 : vector<16xf32>
      %bitcast_convert_type3A_274 = tpu.bitcast %add3A_273 : vector<16xf32> -> vector<16xi32>
      %shift_right_arithmetic3A_275 = arith.constant 1 : i32
      %shift_right_arithmetic3A_276 = vector.broadcast %shift_right_arithmetic3A_275 : i32 to vector<16xi32>
      %shift_right_arithmetic3A_277 = arith.shrsi %bitcast_convert_type3A_274, %shift_right_arithmetic3A_276 : vector<16xi32>
      %sub3A_278 = arith.constant 1597463007 : i32
      %sub3A_279 = vector.broadcast %sub3A_278 : i32 to vector<16xi32>
      %sub3A_280 = arith.subi %sub3A_279, %shift_right_arithmetic3A_277 : vector<16xi32>
      %bitcast_convert_type3A_281 = tpu.bitcast %sub3A_280 : vector<16xi32> -> vector<16xf32>
      %mul3A_282 = arith.constant 5.000000e-01 : f32
      %mul3A_283 = vector.broadcast %mul3A_282 : f32 to vector<16xf32>
      %mul3A_284 = arith.mulf %mul3A_283, %add3A_273 : vector<16xf32>
      %mul3A_285 = arith.mulf %mul3A_284, %bitcast_convert_type3A_281 : vector<16xf32>
      %mul3A_286 = arith.mulf %mul3A_285, %bitcast_convert_type3A_281 : vector<16xf32>
      %sub3A_287 = arith.constant 1.500000e+00 : f32
      %sub3A_288 = vector.broadcast %sub3A_287 : f32 to vector<16xf32>
      %sub3A_289 = arith.subf %sub3A_288, %mul3A_286 : vector<16xf32>
      %mul3A_290 = arith.mulf %bitcast_convert_type3A_281, %sub3A_289 : vector<16xf32>
      %mul3A_291 = arith.constant 5.000000e-01 : f32
      %mul3A_292 = vector.broadcast %mul3A_291 : f32 to vector<16xf32>
      %mul3A_293 = arith.mulf %mul3A_292, %add3A_273 : vector<16xf32>
      %mul3A_294 = arith.mulf %mul3A_293, %mul3A_290 : vector<16xf32>
      %mul3A_295 = arith.mulf %mul3A_294, %mul3A_290 : vector<16xf32>
      %sub3A_296 = arith.constant 1.500000e+00 : f32
      %sub3A_297 = vector.broadcast %sub3A_296 : f32 to vector<16xf32>
      %sub3A_298 = arith.subf %sub3A_297, %mul3A_295 : vector<16xf32>
      %mul3A_299 = arith.mulf %mul3A_290, %sub3A_298 : vector<16xf32>
      %mul3A_300 = arith.constant 5.000000e-01 : f32
      %mul3A_301 = vector.broadcast %mul3A_300 : f32 to vector<16xf32>
      %mul3A_302 = arith.mulf %mul3A_301, %add3A_273 : vector<16xf32>
      %mul3A_303 = arith.mulf %mul3A_302, %mul3A_299 : vector<16xf32>
      %mul3A_304 = arith.mulf %mul3A_303, %mul3A_299 : vector<16xf32>
      %sub3A_305 = arith.constant 1.500000e+00 : f32
      %sub3A_306 = vector.broadcast %sub3A_305 : f32 to vector<16xf32>
      %sub3A_307 = arith.subf %sub3A_306, %mul3A_304 : vector<16xf32>
      %mul3A_308 = arith.mulf %mul3A_299, %sub3A_307 : vector<16xf32>
      %swap3A_309 = arith.index_cast %add3A_263 : i32 to index
      %swap3A_310 = tpu.vector_load %arg12[%swap3A_309] {strides = array<i32>} : memref<640xf32, #tpu.memory_space<vmem>>, vector<16xf32>,
      %swap3A_311 = vector.shape_cast %swap3A_310 : vector<16xf32> to vector<16xf32>
      %swap3A_312 = vector.shape_cast %mul3A_308 : vector<16xf32> to vector<16xf32>
      tpu.vector_store %arg12[%swap3A_309], %swap3A_312 {strides = array<i32>} : memref<640xf32, #tpu.memory_space<vmem>>, vector<16xf32>,
      %get3A_313 = arith.index_cast %add3A_263 : i32 to index
      %get3A_314 = tpu.vector_load %arg10[%get3A_313] {strides = array<i32>} : memref<640xf32, #tpu.memory_space<vmem>>, vector<16xf32>,
      %get3A_315 = vector.shape_cast %get3A_314 : vector<16xf32> to vector<16xf32>
      %mul3A_316 = arith.mulf %mul3A_308, %get3A_315 : vector<16xf32>
      %swap3A_317 = arith.index_cast %add3A_263 : i32 to index
      %swap3A_318 = tpu.vector_load %arg11[%swap3A_317] {strides = array<i32>} : memref<640xf32, #tpu.memory_space<vmem>>, vector<16xf32>,
      %swap3A_319 = vector.shape_cast %swap3A_318 : vector<16xf32> to vector<16xf32>
      %swap3A_320 = vector.shape_cast %mul3A_316 : vector<16xf32> to vector<16xf32>
      tpu.vector_store %arg11[%swap3A_317], %swap3A_320 {strides = array<i32>} : memref<640xf32, #tpu.memory_space<vmem>>, vector<16xf32>,
      %mul3A_321 = arith.constant 4 : i32
      %mul3A_322 = arith.muli %scan3A_197, %mul3A_321 : i32
      %mul3A_323 = arith.constant 16 : i32
      %mul3A_324 = arith.muli %mul3A_322, %mul3A_323 : i32
      %add3A_325 = arith.constant 32 : i32
      %add3A_326 = arith.addi %mul3A_324, %add3A_325 : i32
      %get3A_327 = arith.index_cast %add3A_326 : i32 to index
      %get3A_328 = tpu.vector_load %arg14[%get3A_327] {strides = array<i32>} : memref<640xf32, #tpu.memory_space<vmem>>, vector<16xf32>,
      %get3A_329 = vector.shape_cast %get3A_328 : vector<16xf32> to vector<16xf32>
      %get3A_330 = arith.index_cast %add3A_326 : i32 to index
      %get3A_331 = tpu.vector_load %arg13[%get3A_330] {strides = array<i32>} : memref<640xf32, #tpu.memory_space<vmem>>, vector<16xf32>,
      %get3A_332 = vector.shape_cast %get3A_331 : vector<16xf32> to vector<16xf32>
      %add3A_333 = arith.addf %get3A_329, %get3A_332 : vector<16xf32>
      %add3A_334 = arith.constant 1.000000e+00 : f32
      %add3A_335 = vector.broadcast %add3A_334 : f32 to vector<16xf32>
      %add3A_336 = arith.addf %add3A_333, %add3A_335 : vector<16xf32>
      %bitcast_convert_type3A_337 = tpu.bitcast %add3A_336 : vector<16xf32> -> vector<16xi32>
      %shift_right_arithmetic3A_338 = arith.constant 1 : i32
      %shift_right_arithmetic3A_339 = vector.broadcast %shift_right_arithmetic3A_338 : i32 to vector<16xi32>
      %shift_right_arithmetic3A_340 = arith.shrsi %bitcast_convert_type3A_337, %shift_right_arithmetic3A_339 : vector<16xi32>
      %sub3A_341 = arith.constant 1597463007 : i32
      %sub3A_342 = vector.broadcast %sub3A_341 : i32 to vector<16xi32>
      %sub3A_343 = arith.subi %sub3A_342, %shift_right_arithmetic3A_340 : vector<16xi32>
      %bitcast_convert_type3A_344 = tpu.bitcast %sub3A_343 : vector<16xi32> -> vector<16xf32>
      %mul3A_345 = arith.constant 5.000000e-01 : f32
      %mul3A_346 = vector.broadcast %mul3A_345 : f32 to vector<16xf32>
      %mul3A_347 = arith.mulf %mul3A_346, %add3A_336 : vector<16xf32>
      %mul3A_348 = arith.mulf %mul3A_347, %bitcast_convert_type3A_344 : vector<16xf32>
      %mul3A_349 = arith.mulf %mul3A_348, %bitcast_convert_type3A_344 : vector<16xf32>
      %sub3A_350 = arith.constant 1.500000e+00 : f32
      %sub3A_351 = vector.broadcast %sub3A_350 : f32 to vector<16xf32>
      %sub3A_352 = arith.subf %sub3A_351, %mul3A_349 : vector<16xf32>
      %mul3A_353 = arith.mulf %bitcast_convert_type3A_344, %sub3A_352 : vector<16xf32>
      %mul3A_354 = arith.constant 5.000000e-01 : f32
      %mul3A_355 = vector.broadcast %mul3A_354 : f32 to vector<16xf32>
      %mul3A_356 = arith.mulf %mul3A_355, %add3A_336 : vector<16xf32>
      %mul3A_357 = arith.mulf %mul3A_356, %mul3A_353 : vector<16xf32>
      %mul3A_358 = arith.mulf %mul3A_357, %mul3A_353 : vector<16xf32>
      %sub3A_359 = arith.constant 1.500000e+00 : f32
      %sub3A_360 = vector.broadcast %sub3A_359 : f32 to vector<16xf32>
      %sub3A_361 = arith.subf %sub3A_360, %mul3A_358 : vector<16xf32>
      %mul3A_362 = arith.mulf %mul3A_353, %sub3A_361 : vector<16xf32>
      %mul3A_363 = arith.constant 5.000000e-01 : f32
      %mul3A_364 = vector.broadcast %mul3A_363 : f32 to vector<16xf32>
      %mul3A_365 = arith.mulf %mul3A_364, %add3A_336 : vector<16xf32>
      %mul3A_366 = arith.mulf %mul3A_365, %mul3A_362 : vector<16xf32>
      %mul3A_367 = arith.mulf %mul3A_366, %mul3A_362 : vector<16xf32>
      %sub3A_368 = arith.constant 1.500000e+00 : f32
      %sub3A_369 = vector.broadcast %sub3A_368 : f32 to vector<16xf32>
      %sub3A_370 = arith.subf %sub3A_369, %mul3A_367 : vector<16xf32>
      %mul3A_371 = arith.mulf %mul3A_362, %sub3A_370 : vector<16xf32>
      %swap3A_372 = arith.index_cast %add3A_326 : i32 to index
      %swap3A_373 = tpu.vector_load %arg12[%swap3A_372] {strides = array<i32>} : memref<640xf32, #tpu.memory_space<vmem>>, vector<16xf32>,
      %swap3A_374 = vector.shape_cast %swap3A_373 : vector<16xf32> to vector<16xf32>
      %swap3A_375 = vector.shape_cast %mul3A_371 : vector<16xf32> to vector<16xf32>
      tpu.vector_store %arg12[%swap3A_372], %swap3A_375 {strides = array<i32>} : memref<640xf32, #tpu.memory_space<vmem>>, vector<16xf32>,
      %get3A_376 = arith.index_cast %add3A_326 : i32 to index
      %get3A_377 = tpu.vector_load %arg10[%get3A_376] {strides = array<i32>} : memref<640xf32, #tpu.memory_space<vmem>>, vector<16xf32>,
      %get3A_378 = vector.shape_cast %get3A_377 : vector<16xf32> to vector<16xf32>
      %mul3A_379 = arith.mulf %mul3A_371, %get3A_378 : vector<16xf32>
      %swap3A_380 = arith.index_cast %add3A_326 : i32 to index
      %swap3A_381 = tpu.vector_load %arg11[%swap3A_380] {strides = array<i32>} : memref<640xf32, #tpu.memory_space<vmem>>, vector<16xf32>,
      %swap3A_382 = vector.shape_cast %swap3A_381 : vector<16xf32> to vector<16xf32>
      %swap3A_383 = vector.shape_cast %mul3A_379 : vector<16xf32> to vector<16xf32>
      tpu.vector_store %arg11[%swap3A_380], %swap3A_383 {strides = array<i32>} : memref<640xf32, #tpu.memory_space<vmem>>, vector<16xf32>,
      %mul3A_384 = arith.constant 4 : i32
      %mul3A_385 = arith.muli %scan3A_197, %mul3A_384 : i32
      %mul3A_386 = arith.constant 16 : i32
      %mul3A_387 = arith.muli %mul3A_385, %mul3A_386 : i32
      %add3A_388 = arith.constant 48 : i32
      %add3A_389 = arith.addi %mul3A_387, %add3A_388 : i32
      %get3A_390 = arith.index_cast %add3A_389 : i32 to index
      %get3A_391 = tpu.vector_load %arg14[%get3A_390] {strides = array<i32>} : memref<640xf32, #tpu.memory_space<vmem>>, vector<16xf32>,
      %get3A_392 = vector.shape_cast %get3A_391 : vector<16xf32> to vector<16xf32>
      %get3A_393 = arith.index_cast %add3A_389 : i32 to index
      %get3A_394 = tpu.vector_load %arg13[%get3A_393] {strides = array<i32>} : memref<640xf32, #tpu.memory_space<vmem>>, vector<16xf32>,
      %get3A_395 = vector.shape_cast %get3A_394 : vector<16xf32> to vector<16xf32>
      %add3A_396 = arith.addf %get3A_392, %get3A_395 : vector<16xf32>
      %add3A_397 = arith.constant 1.000000e+00 : f32
      %add3A_398 = vector.broadcast %add3A_397 : f32 to vector<16xf32>
      %add3A_399 = arith.addf %add3A_396, %add3A_398 : vector<16xf32>
      %bitcast_convert_type3A_400 = tpu.bitcast %add3A_399 : vector<16xf32> -> vector<16xi32>
      %shift_right_arithmetic3A_401 = arith.constant 1 : i32
      %shift_right_arithmetic3A_402 = vector.broadcast %shift_right_arithmetic3A_401 : i32 to vector<16xi32>
      %shift_right_arithmetic3A_403 = arith.shrsi %bitcast_convert_type3A_400, %shift_right_arithmetic3A_402 : vector<16xi32>
      %sub3A_404 = arith.constant 1597463007 : i32
      %sub3A_405 = vector.broadcast %sub3A_404 : i32 to vector<16xi32>
      %sub3A_406 = arith.subi %sub3A_405, %shift_right_arithmetic3A_403 : vector<16xi32>
      %bitcast_convert_type3A_407 = tpu.bitcast %sub3A_406 : vector<16xi32> -> vector<16xf32>
      %mul3A_408 = arith.constant 5.000000e-01 : f32
      %mul3A_409 = vector.broadcast %mul3A_408 : f32 to vector<16xf32>
      %mul3A_410 = arith.mulf %mul3A_409, %add3A_399 : vector<16xf32>
      %mul3A_411 = arith.mulf %mul3A_410, %bitcast_convert_type3A_407 : vector<16xf32>
      %mul3A_412 = arith.mulf %mul3A_411, %bitcast_convert_type3A_407 : vector<16xf32>
      %sub3A_413 = arith.constant 1.500000e+00 : f32
      %sub3A_414 = vector.broadcast %sub3A_413 : f32 to vector<16xf32>
      %sub3A_415 = arith.subf %sub3A_414, %mul3A_412 : vector<16xf32>
      %mul3A_416 = arith.mulf %bitcast_convert_type3A_407, %sub3A_415 : vector<16xf32>
      %mul3A_417 = arith.constant 5.000000e-01 : f32
      %mul3A_418 = vector.broadcast %mul3A_417 : f32 to vector<16xf32>
      %mul3A_419 = arith.mulf %mul3A_418, %add3A_399 : vector<16xf32>
      %mul3A_420 = arith.mulf %mul3A_419, %mul3A_416 : vector<16xf32>
      %mul3A_421 = arith.mulf %mul3A_420, %mul3A_416 : vector<16xf32>
      %sub3A_422 = arith.constant 1.500000e+00 : f32
      %sub3A_423 = vector.broadcast %sub3A_422 : f32 to vector<16xf32>
      %sub3A_424 = arith.subf %sub3A_423, %mul3A_421 : vector<16xf32>
      %mul3A_425 = arith.mulf %mul3A_416, %sub3A_424 : vector<16xf32>
      %mul3A_426 = arith.constant 5.000000e-01 : f32
      %mul3A_427 = vector.broadcast %mul3A_426 : f32 to vector<16xf32>
      %mul3A_428 = arith.mulf %mul3A_427, %add3A_399 : vector<16xf32>
      %mul3A_429 = arith.mulf %mul3A_428, %mul3A_425 : vector<16xf32>
      %mul3A_430 = arith.mulf %mul3A_429, %mul3A_425 : vector<16xf32>
      %sub3A_431 = arith.constant 1.500000e+00 : f32
      %sub3A_432 = vector.broadcast %sub3A_431 : f32 to vector<16xf32>
      %sub3A_433 = arith.subf %sub3A_432, %mul3A_430 : vector<16xf32>
      %mul3A_434 = arith.mulf %mul3A_425, %sub3A_433 : vector<16xf32>
      %swap3A_435 = arith.index_cast %add3A_389 : i32 to index
      %swap3A_436 = tpu.vector_load %arg12[%swap3A_435] {strides = array<i32>} : memref<640xf32, #tpu.memory_space<vmem>>, vector<16xf32>,
      %swap3A_437 = vector.shape_cast %swap3A_436 : vector<16xf32> to vector<16xf32>
      %swap3A_438 = vector.shape_cast %mul3A_434 : vector<16xf32> to vector<16xf32>
      tpu.vector_store %arg12[%swap3A_435], %swap3A_438 {strides = array<i32>} : memref<640xf32, #tpu.memory_space<vmem>>, vector<16xf32>,
      %get3A_439 = arith.index_cast %add3A_389 : i32 to index
      %get3A_440 = tpu.vector_load %arg10[%get3A_439] {strides = array<i32>} : memref<640xf32, #tpu.memory_space<vmem>>, vector<16xf32>,
      %get3A_441 = vector.shape_cast %get3A_440 : vector<16xf32> to vector<16xf32>
      %mul3A_442 = arith.mulf %mul3A_434, %get3A_441 : vector<16xf32>
      %swap3A_443 = arith.index_cast %add3A_389 : i32 to index
      %swap3A_444 = tpu.vector_load %arg11[%swap3A_443] {strides = array<i32>} : memref<640xf32, #tpu.memory_space<vmem>>, vector<16xf32>,
      %swap3A_445 = vector.shape_cast %swap3A_444 : vector<16xf32> to vector<16xf32>
      %swap3A_446 = vector.shape_cast %mul3A_442 : vector<16xf32> to vector<16xf32>
      tpu.vector_store %arg11[%swap3A_443], %swap3A_446 {strides = array<i32>} : memref<640xf32, #tpu.memory_space<vmem>>, vector<16xf32>,
      %scan3A_447 = arith.constant 0 : i32
      scf.yield %scan3A_447 : i32
    }
    %scan3A_48 = arith.constant 10 : i32
    "tpu.region"() ({
      %run_scoped3A = tpu.sem_alloc : memref<!tpu.dma_semaphore, #tpu.memory_space<semaphore_mem>>
      %dma_start3A_197 = tpu.memref_slice %arg17[%mul3A_2] : memref<10240xf32, #tpu.memory_space<vmem_shared>> -> memref<640xf32, #tpu.memory_space<vmem_shared>>
      %dma_start3A_198 = tpu.memref_slice %arg17[%mul3A_2] : memref<10240xf32, #tpu.memory_space<vmem_shared>> -> memref<640xf32, #tpu.memory_space<vmem_shared>>
      tpu.enqueue_dma source(%arg11 : memref<640xf32, #tpu.memory_space<vmem>>) target(%dma_start3A_198 : memref<640xf32, #tpu.memory_space<vmem_shared>>) target_semaphore(%run_scoped3A : memref<!tpu.dma_semaphore, #tpu.memory_space<semaphore_mem>>)
      %dma_wait3A_199 = tpu.memref_slice %arg17[%mul3A_2] : memref<10240xf32, #tpu.memory_space<vmem_shared>> -> memref<640xf32, #tpu.memory_space<vmem_shared>>
      %dma_wait3A_200 = tpu.memref_slice %arg17[%mul3A_2] : memref<10240xf32, #tpu.memory_space<vmem_shared>> -> memref<640xf32, #tpu.memory_space<vmem_shared>>
      tpu.wait_dma2 semaphore(%run_scoped3A : memref<!tpu.dma_semaphore, #tpu.memory_space<semaphore_mem>>) src(%arg11 : memref<640xf32, #tpu.memory_space<vmem>>) dst(%dma_wait3A_200 : memref<640xf32, #tpu.memory_space<vmem_shared>>)
      tpu.yield
    }) : () -> ()
    %barrier3A_49 = arith.constant 0 : index
    tpu.barrier barrier_id(%barrier3A_49)
    %dma_start3A_50 = arith.constant 0 : i32
    %dma_start3A_51 = tpu.memref_slice %arg9[%dma_start3A_50] : memref<10000xf32, #tpu.memory_space<vmem>> -> memref<5000xf32, #tpu.memory_space<vmem>>
    %dma_start3A_52 = arith.constant 0 : i32
    %dma_start3A_53 = tpu.memref_slice %arg7[%dma_start3A_52] : memref<10000xi32, #tpu.memory_space<vmem>> -> memref<5000xi32, #tpu.memory_space<vmem>>
    %dma_start3A_54 = arith.constant 0 : i32
    %dma_start3A_55 = tpu.memref_slice %arg17[%dma_start3A_54] : memref<10240xf32, #tpu.memory_space<vmem_shared>> -> memref<10240xf32, #tpu.memory_space<vmem_shared>>
    tpu.enqueue_indirect_dma source(%dma_start3A_55 : memref<10240xf32, #tpu.memory_space<vmem_shared>>) target(%dma_start3A_51 : memref<5000xf32, #tpu.memory_space<vmem>>) offsets(%dma_start3A_53 : memref<5000xi32, #tpu.memory_space<vmem>>) semaphore(%arg18 : memref<!tpu.dma_semaphore, #tpu.memory_space<semaphore_mem>>)
    %dma_start3A_56 = arith.constant 5000 : i32
    %dma_start3A_57 = tpu.memref_slice %arg9[%dma_start3A_56] : memref<10000xf32, #tpu.memory_space<vmem>> -> memref<5000xf32, #tpu.memory_space<vmem>>
    %dma_start3A_58 = arith.constant 5000 : i32
    %dma_start3A_59 = tpu.memref_slice %arg7[%dma_start3A_58] : memref<10000xi32, #tpu.memory_space<vmem>> -> memref<5000xi32, #tpu.memory_space<vmem>>
    %dma_start3A_60 = arith.constant 0 : i32
    %dma_start3A_61 = tpu.memref_slice %arg17[%dma_start3A_60] : memref<10240xf32, #tpu.memory_space<vmem_shared>> -> memref<10240xf32, #tpu.memory_space<vmem_shared>>
    tpu.enqueue_indirect_dma source(%dma_start3A_61 : memref<10240xf32, #tpu.memory_space<vmem_shared>>) target(%dma_start3A_57 : memref<5000xf32, #tpu.memory_space<vmem>>) offsets(%dma_start3A_59 : memref<5000xi32, #tpu.memory_space<vmem>>) semaphore(%arg18 : memref<!tpu.dma_semaphore, #tpu.memory_space<semaphore_mem>>)
    %dma_wait3A_62 = arith.constant 0 : i32
    %dma_wait3A_63 = tpu.memref_slice %arg9[%dma_wait3A_62] : memref<10000xf32, #tpu.memory_space<vmem>> -> memref<5000xf32, #tpu.memory_space<vmem>>
    %dma_wait3A_64 = arith.constant 0 : i32
    %dma_wait3A_65 = tpu.memref_slice %arg7[%dma_wait3A_64] : memref<10000xi32, #tpu.memory_space<vmem>> -> memref<5000xi32, #tpu.memory_space<vmem>>
    %dma_wait3A_66 = arith.constant 0 : i32
    %dma_wait3A_67 = tpu.memref_slice %arg17[%dma_wait3A_66] : memref<10240xf32, #tpu.memory_space<vmem_shared>> -> memref<10240xf32, #tpu.memory_space<vmem_shared>>
    tpu.wait_indirect_dma semaphore(%arg18 : memref<!tpu.dma_semaphore, #tpu.memory_space<semaphore_mem>>) src(%dma_wait3A_67 : memref<10240xf32, #tpu.memory_space<vmem_shared>>) dst(%dma_wait3A_63 : memref<5000xf32, #tpu.memory_space<vmem>>)
    %dma_start3A_68 = arith.constant 0 : i32
    %dma_start3A_69 = tpu.memref_slice %arg9[%dma_start3A_68] : memref<10000xf32, #tpu.memory_space<vmem>> -> memref<5000xf32, #tpu.memory_space<vmem>>
    %dma_start3A_70 = arith.constant 0 : i32
    %dma_start3A_71 = tpu.memref_slice %arg8[%dma_start3A_70] : memref<10000xi32, #tpu.memory_space<vmem>> -> memref<5000xi32, #tpu.memory_space<vmem>>
    %dma_start3A_72 = arith.constant 0 : i32
    %dma_start3A_73 = tpu.memref_slice %arg16[%dma_start3A_72] : memref<10240xf32, #tpu.memory_space<vmem_shared>> -> memref<10240xf32, #tpu.memory_space<vmem_shared>>
    tpu.enqueue_indirect_dma source(%dma_start3A_69 : memref<5000xf32, #tpu.memory_space<vmem>>) target(%dma_start3A_73 : memref<10240xf32, #tpu.memory_space<vmem_shared>>) offsets(%dma_start3A_71 : memref<5000xi32, #tpu.memory_space<vmem>>) semaphore(%arg18 : memref<!tpu.dma_semaphore, #tpu.memory_space<semaphore_mem>>) {add = true}
    %dma_wait3A_74 = arith.constant 5000 : i32
    %dma_wait3A_75 = tpu.memref_slice %arg9[%dma_wait3A_74] : memref<10000xf32, #tpu.memory_space<vmem>> -> memref<5000xf32, #tpu.memory_space<vmem>>
    %dma_wait3A_76 = arith.constant 5000 : i32
    %dma_wait3A_77 = tpu.memref_slice %arg7[%dma_wait3A_76] : memref<10000xi32, #tpu.memory_space<vmem>> -> memref<5000xi32, #tpu.memory_space<vmem>>
    %dma_wait3A_78 = arith.constant 0 : i32
    %dma_wait3A_79 = tpu.memref_slice %arg17[%dma_wait3A_78] : memref<10240xf32, #tpu.memory_space<vmem_shared>> -> memref<10240xf32, #tpu.memory_space<vmem_shared>>
    tpu.wait_indirect_dma semaphore(%arg18 : memref<!tpu.dma_semaphore, #tpu.memory_space<semaphore_mem>>) src(%dma_wait3A_79 : memref<10240xf32, #tpu.memory_space<vmem_shared>>) dst(%dma_wait3A_75 : memref<5000xf32, #tpu.memory_space<vmem>>)
    %dma_start3A_80 = arith.constant 5000 : i32
    %dma_start3A_81 = tpu.memref_slice %arg9[%dma_start3A_80] : memref<10000xf32, #tpu.memory_space<vmem>> -> memref<5000xf32, #tpu.memory_space<vmem>>
    %dma_start3A_82 = arith.constant 5000 : i32
    %dma_start3A_83 = tpu.memref_slice %arg8[%dma_start3A_82] : memref<10000xi32, #tpu.memory_space<vmem>> -> memref<5000xi32, #tpu.memory_space<vmem>>
    %dma_start3A_84 = arith.constant 0 : i32
    %dma_start3A_85 = tpu.memref_slice %arg16[%dma_start3A_84] : memref<10240xf32, #tpu.memory_space<vmem_shared>> -> memref<10240xf32, #tpu.memory_space<vmem_shared>>
    tpu.enqueue_indirect_dma source(%dma_start3A_81 : memref<5000xf32, #tpu.memory_space<vmem>>) target(%dma_start3A_85 : memref<10240xf32, #tpu.memory_space<vmem_shared>>) offsets(%dma_start3A_83 : memref<5000xi32, #tpu.memory_space<vmem>>) semaphore(%arg18 : memref<!tpu.dma_semaphore, #tpu.memory_space<semaphore_mem>>) {add = true}
    %dma_wait3A_86 = arith.constant 0 : i32
    %dma_wait3A_87 = tpu.memref_slice %arg9[%dma_wait3A_86] : memref<10000xf32, #tpu.memory_space<vmem>> -> memref<5000xf32, #tpu.memory_space<vmem>>
    %dma_wait3A_88 = arith.constant 0 : i32
    %dma_wait3A_89 = tpu.memref_slice %arg8[%dma_wait3A_88] : memref<10000xi32, #tpu.memory_space<vmem>> -> memref<5000xi32, #tpu.memory_space<vmem>>
    %dma_wait3A_90 = arith.constant 0 : i32
    %dma_wait3A_91 = tpu.memref_slice %arg16[%dma_wait3A_90] : memref<10240xf32, #tpu.memory_space<vmem_shared>> -> memref<10240xf32, #tpu.memory_space<vmem_shared>>
    tpu.wait_indirect_dma semaphore(%arg18 : memref<!tpu.dma_semaphore, #tpu.memory_space<semaphore_mem>>) src(%dma_wait3A_87 : memref<5000xf32, #tpu.memory_space<vmem>>) dst(%dma_wait3A_91 : memref<10240xf32, #tpu.memory_space<vmem_shared>>)
    %dma_wait3A_92 = arith.constant 5000 : i32
    %dma_wait3A_93 = tpu.memref_slice %arg9[%dma_wait3A_92] : memref<10000xf32, #tpu.memory_space<vmem>> -> memref<5000xf32, #tpu.memory_space<vmem>>
    %dma_wait3A_94 = arith.constant 5000 : i32
    %dma_wait3A_95 = tpu.memref_slice %arg8[%dma_wait3A_94] : memref<10000xi32, #tpu.memory_space<vmem>> -> memref<5000xi32, #tpu.memory_space<vmem>>
    %dma_wait3A_96 = arith.constant 0 : i32
    %dma_wait3A_97 = tpu.memref_slice %arg16[%dma_wait3A_96] : memref<10240xf32, #tpu.memory_space<vmem_shared>> -> memref<10240xf32, #tpu.memory_space<vmem_shared>>
    tpu.wait_indirect_dma semaphore(%arg18 : memref<!tpu.dma_semaphore, #tpu.memory_space<semaphore_mem>>) src(%dma_wait3A_93 : memref<5000xf32, #tpu.memory_space<vmem>>) dst(%dma_wait3A_97 : memref<10240xf32, #tpu.memory_space<vmem_shared>>)
    %barrier3A_98 = arith.constant 0 : index
    tpu.barrier barrier_id(%barrier3A_98)
    "tpu.region"() ({
      %run_scoped3A = tpu.sem_alloc : memref<!tpu.dma_semaphore, #tpu.memory_space<semaphore_mem>>
      %dma_start3A_197 = tpu.memref_slice %arg16[%mul3A_2] : memref<10240xf32, #tpu.memory_space<vmem_shared>> -> memref<640xf32, #tpu.memory_space<vmem_shared>>
      %dma_start3A_198 = tpu.memref_slice %arg16[%mul3A_2] : memref<10240xf32, #tpu.memory_space<vmem_shared>> -> memref<640xf32, #tpu.memory_space<vmem_shared>>
      tpu.enqueue_dma source(%dma_start3A_198 : memref<640xf32, #tpu.memory_space<vmem_shared>>) target(%arg14 : memref<640xf32, #tpu.memory_space<vmem>>) target_semaphore(%run_scoped3A : memref<!tpu.dma_semaphore, #tpu.memory_space<semaphore_mem>>)
      %dma_wait3A_199 = tpu.memref_slice %arg16[%mul3A_2] : memref<10240xf32, #tpu.memory_space<vmem_shared>> -> memref<640xf32, #tpu.memory_space<vmem_shared>>
      %dma_wait3A_200 = tpu.memref_slice %arg16[%mul3A_2] : memref<10240xf32, #tpu.memory_space<vmem_shared>> -> memref<640xf32, #tpu.memory_space<vmem_shared>>
      tpu.wait_dma2 semaphore(%run_scoped3A : memref<!tpu.dma_semaphore, #tpu.memory_space<semaphore_mem>>) src(%dma_wait3A_200 : memref<640xf32, #tpu.memory_space<vmem_shared>>) dst(%arg14 : memref<640xf32, #tpu.memory_space<vmem>>)
      tpu.yield
    }) : () -> ()
    %mul3A_99 = arith.constant 10240 : i32
    %mul3A_100 = arith.muli %arg0, %mul3A_99 : i32
    %add3A_101 = arith.addi %mul3A_100, %mul3A_2 : i32
    "tpu.region"() ({
      %run_scoped3A = tpu.sem_alloc : memref<!tpu.dma_semaphore, #tpu.memory_space<semaphore_mem>>
      %dma_start3A_197 = tpu.memref_slice %arg6[%add3A_101] : memref<20480xf32, #tpu.memory_space<hbm>> -> memref<640xf32, #tpu.memory_space<hbm>>
      %dma_start3A_198 = tpu.memref_slice %arg6[%add3A_101] : memref<20480xf32, #tpu.memory_space<hbm>> -> memref<640xf32, #tpu.memory_space<hbm>>
      tpu.enqueue_dma source(%arg14 : memref<640xf32, #tpu.memory_space<vmem>>) target(%dma_start3A_198 : memref<640xf32, #tpu.memory_space<hbm>>) target_semaphore(%run_scoped3A : memref<!tpu.dma_semaphore, #tpu.memory_space<semaphore_mem>>)
      %dma_wait3A_199 = tpu.memref_slice %arg6[%add3A_101] : memref<20480xf32, #tpu.memory_space<hbm>> -> memref<640xf32, #tpu.memory_space<hbm>>
      %dma_wait3A_200 = tpu.memref_slice %arg6[%add3A_101] : memref<20480xf32, #tpu.memory_space<hbm>> -> memref<640xf32, #tpu.memory_space<hbm>>
      tpu.wait_dma2 semaphore(%run_scoped3A : memref<!tpu.dma_semaphore, #tpu.memory_space<semaphore_mem>>) src(%arg14 : memref<640xf32, #tpu.memory_space<vmem>>) dst(%dma_wait3A_200 : memref<640xf32, #tpu.memory_space<hbm>>)
      tpu.yield
    }) : () -> ()
    %sub3A_102 = arith.constant 1 : i32
    %sub3A_103 = arith.subi %sub3A_102, %arg0 : i32
    %semaphore_signal3A_104 = arith.constant 1 : i32
    tpu.sem_signal %arg19, %semaphore_signal3A_104 core_id %sub3A_103 : memref<!tpu.semaphore, #tpu.memory_space<semaphore_mem>>
    %semaphore_wait3A_105 = arith.constant 1 : i32
    %semaphore_wait3A_106 = arith.constant true
    tpu.sem_wait %arg19, %semaphore_wait3A_105 : memref<!tpu.semaphore, #tpu.memory_space<semaphore_mem>>
    %sub3A_107 = arith.constant 1 : i32
    %sub3A_108 = arith.subi %sub3A_107, %arg0 : i32
    %mul3A_109 = arith.constant 10240 : i32
    %mul3A_110 = arith.muli %sub3A_108, %mul3A_109 : i32
    %add3A_111 = arith.addi %mul3A_110, %mul3A_2 : i32
    %dma_start3A_112 = tpu.memref_slice %arg6[%add3A_111] : memref<20480xf32, #tpu.memory_space<hbm>> -> memref<640xf32, #tpu.memory_space<hbm>>
    %dma_start3A_113 = tpu.memref_slice %arg6[%add3A_111] : memref<20480xf32, #tpu.memory_space<hbm>> -> memref<640xf32, #tpu.memory_space<hbm>>
    tpu.enqueue_dma source(%dma_start3A_113 : memref<640xf32, #tpu.memory_space<hbm>>) target(%arg13 : memref<640xf32, #tpu.memory_space<vmem>>) target_semaphore(%arg18 : memref<!tpu.dma_semaphore, #tpu.memory_space<semaphore_mem>>)
    "tpu.region"() ({
      %run_scoped3A = tpu.sem_alloc : memref<!tpu.dma_semaphore, #tpu.memory_space<semaphore_mem>>
      %dma_start3A_197 = tpu.memref_slice %arg16[%mul3A_2] : memref<10240xf32, #tpu.memory_space<vmem_shared>> -> memref<640xf32, #tpu.memory_space<vmem_shared>>
      %dma_start3A_198 = tpu.memref_slice %arg16[%mul3A_2] : memref<10240xf32, #tpu.memory_space<vmem_shared>> -> memref<640xf32, #tpu.memory_space<vmem_shared>>
      tpu.enqueue_dma source(%arg15 : memref<640xf32, #tpu.memory_space<vmem>>) target(%dma_start3A_198 : memref<640xf32, #tpu.memory_space<vmem_shared>>) target_semaphore(%run_scoped3A : memref<!tpu.dma_semaphore, #tpu.memory_space<semaphore_mem>>)
      %dma_wait3A_199 = tpu.memref_slice %arg16[%mul3A_2] : memref<10240xf32, #tpu.memory_space<vmem_shared>> -> memref<640xf32, #tpu.memory_space<vmem_shared>>
      %dma_wait3A_200 = tpu.memref_slice %arg16[%mul3A_2] : memref<10240xf32, #tpu.memory_space<vmem_shared>> -> memref<640xf32, #tpu.memory_space<vmem_shared>>
      tpu.wait_dma2 semaphore(%run_scoped3A : memref<!tpu.dma_semaphore, #tpu.memory_space<semaphore_mem>>) src(%arg15 : memref<640xf32, #tpu.memory_space<vmem>>) dst(%dma_wait3A_200 : memref<640xf32, #tpu.memory_space<vmem_shared>>)
      tpu.yield
    }) : () -> ()
    %dma_wait3A_114 = tpu.memref_slice %arg6[%add3A_111] : memref<20480xf32, #tpu.memory_space<hbm>> -> memref<640xf32, #tpu.memory_space<hbm>>
    %dma_wait3A_115 = tpu.memref_slice %arg6[%add3A_111] : memref<20480xf32, #tpu.memory_space<hbm>> -> memref<640xf32, #tpu.memory_space<hbm>>
    tpu.wait_dma2 semaphore(%arg18 : memref<!tpu.dma_semaphore, #tpu.memory_space<semaphore_mem>>) src(%dma_wait3A_115 : memref<640xf32, #tpu.memory_space<hbm>>) dst(%arg13 : memref<640xf32, #tpu.memory_space<vmem>>)
    %scan3A_116 = arith.constant 0 : i32
    %scan3A_117 = arith.constant 0 : i32
    %scan3A_118 = arith.constant 10 : i32
    %scan3A_119 = arith.addi %scan3A_117, %scan3A_118 : i32
    %scan3A_120 = arith.constant 1 : i32
    %scan3A_121 = scf.for %scan3A_197 = %scan3A_117 to %scan3A_119 step %scan3A_120 iter_args(%scan3A_198 = %scan3A_116) -> (i32)  : i32 {
      %mul3A_199 = arith.constant 4 : i32
      %mul3A_200 = arith.muli %scan3A_197, %mul3A_199 : i32
      %mul3A_201 = arith.constant 16 : i32
      %mul3A_202 = arith.muli %mul3A_200, %mul3A_201 : i32
      %add3A_203 = arith.constant 0 : i32
      %add3A_204 = arith.addi %mul3A_202, %add3A_203 : i32
      %get3A = arith.index_cast %add3A_204 : i32 to index
      %get3A_205 = tpu.vector_load %arg12[%get3A] {strides = array<i32>} : memref<640xf32, #tpu.memory_space<vmem>>, vector<16xf32>,
      %get3A_206 = vector.shape_cast %get3A_205 : vector<16xf32> to vector<16xf32>
      %get3A_207 = arith.index_cast %add3A_204 : i32 to index
      %get3A_208 = tpu.vector_load %arg14[%get3A_207] {strides = array<i32>} : memref<640xf32, #tpu.memory_space<vmem>>, vector<16xf32>,
      %get3A_209 = vector.shape_cast %get3A_208 : vector<16xf32> to vector<16xf32>
      %get3A_210 = arith.index_cast %add3A_204 : i32 to index
      %get3A_211 = tpu.vector_load %arg13[%get3A_210] {strides = array<i32>} : memref<640xf32, #tpu.memory_space<vmem>>, vector<16xf32>,
      %get3A_212 = vector.shape_cast %get3A_211 : vector<16xf32> to vector<16xf32>
      %add3A_213 = arith.addf %get3A_209, %get3A_212 : vector<16xf32>
      %get3A_214 = arith.index_cast %add3A_204 : i32 to index
      %get3A_215 = tpu.vector_load %arg11[%get3A_214] {strides = array<i32>} : memref<640xf32, #tpu.memory_space<vmem>>, vector<16xf32>,
      %get3A_216 = vector.shape_cast %get3A_215 : vector<16xf32> to vector<16xf32>
      %add3A_217 = arith.addf %add3A_213, %get3A_216 : vector<16xf32>
      %mul3A_218 = arith.mulf %get3A_206, %add3A_217 : vector<16xf32>
      %swap3A = arith.index_cast %add3A_204 : i32 to index
      %swap3A_219 = tpu.vector_load %arg10[%swap3A] {strides = array<i32>} : memref<640xf32, #tpu.memory_space<vmem>>, vector<16xf32>,
      %swap3A_220 = vector.shape_cast %swap3A_219 : vector<16xf32> to vector<16xf32>
      %swap3A_221 = vector.shape_cast %mul3A_218 : vector<16xf32> to vector<16xf32>
      tpu.vector_store %arg10[%swap3A], %swap3A_221 {strides = array<i32>} : memref<640xf32, #tpu.memory_space<vmem>>, vector<16xf32>,
      %get3A_222 = arith.index_cast %add3A_204 : i32 to index
      %get3A_223 = tpu.vector_load %arg12[%get3A_222] {strides = array<i32>} : memref<640xf32, #tpu.memory_space<vmem>>, vector<16xf32>,
      %get3A_224 = vector.shape_cast %get3A_223 : vector<16xf32> to vector<16xf32>
      %mul3A_225 = arith.mulf %get3A_224, %mul3A_218 : vector<16xf32>
      %swap3A_226 = arith.index_cast %add3A_204 : i32 to index
      %swap3A_227 = tpu.vector_load %arg11[%swap3A_226] {strides = array<i32>} : memref<640xf32, #tpu.memory_space<vmem>>, vector<16xf32>,
      %swap3A_228 = vector.shape_cast %swap3A_227 : vector<16xf32> to vector<16xf32>
      %swap3A_229 = vector.shape_cast %mul3A_225 : vector<16xf32> to vector<16xf32>
      tpu.vector_store %arg11[%swap3A_226], %swap3A_229 {strides = array<i32>} : memref<640xf32, #tpu.memory_space<vmem>>, vector<16xf32>,
      %mul3A_230 = arith.constant 4 : i32
      %mul3A_231 = arith.muli %scan3A_197, %mul3A_230 : i32
      %mul3A_232 = arith.constant 16 : i32
      %mul3A_233 = arith.muli %mul3A_231, %mul3A_232 : i32
      %add3A_234 = arith.constant 16 : i32
      %add3A_235 = arith.addi %mul3A_233, %add3A_234 : i32
      %get3A_236 = arith.index_cast %add3A_235 : i32 to index
      %get3A_237 = tpu.vector_load %arg12[%get3A_236] {strides = array<i32>} : memref<640xf32, #tpu.memory_space<vmem>>, vector<16xf32>,
      %get3A_238 = vector.shape_cast %get3A_237 : vector<16xf32> to vector<16xf32>
      %get3A_239 = arith.index_cast %add3A_235 : i32 to index
      %get3A_240 = tpu.vector_load %arg14[%get3A_239] {strides = array<i32>} : memref<640xf32, #tpu.memory_space<vmem>>, vector<16xf32>,
      %get3A_241 = vector.shape_cast %get3A_240 : vector<16xf32> to vector<16xf32>
      %get3A_242 = arith.index_cast %add3A_235 : i32 to index
      %get3A_243 = tpu.vector_load %arg13[%get3A_242] {strides = array<i32>} : memref<640xf32, #tpu.memory_space<vmem>>, vector<16xf32>,
      %get3A_244 = vector.shape_cast %get3A_243 : vector<16xf32> to vector<16xf32>
      %add3A_245 = arith.addf %get3A_241, %get3A_244 : vector<16xf32>
      %get3A_246 = arith.index_cast %add3A_235 : i32 to index
      %get3A_247 = tpu.vector_load %arg11[%get3A_246] {strides = array<i32>} : memref<640xf32, #tpu.memory_space<vmem>>, vector<16xf32>,
      %get3A_248 = vector.shape_cast %get3A_247 : vector<16xf32> to vector<16xf32>
      %add3A_249 = arith.addf %add3A_245, %get3A_248 : vector<16xf32>
      %mul3A_250 = arith.mulf %get3A_238, %add3A_249 : vector<16xf32>
      %swap3A_251 = arith.index_cast %add3A_235 : i32 to index
      %swap3A_252 = tpu.vector_load %arg10[%swap3A_251] {strides = array<i32>} : memref<640xf32, #tpu.memory_space<vmem>>, vector<16xf32>,
      %swap3A_253 = vector.shape_cast %swap3A_252 : vector<16xf32> to vector<16xf32>
      %swap3A_254 = vector.shape_cast %mul3A_250 : vector<16xf32> to vector<16xf32>
      tpu.vector_store %arg10[%swap3A_251], %swap3A_254 {strides = array<i32>} : memref<640xf32, #tpu.memory_space<vmem>>, vector<16xf32>,
      %get3A_255 = arith.index_cast %add3A_235 : i32 to index
      %get3A_256 = tpu.vector_load %arg12[%get3A_255] {strides = array<i32>} : memref<640xf32, #tpu.memory_space<vmem>>, vector<16xf32>,
      %get3A_257 = vector.shape_cast %get3A_256 : vector<16xf32> to vector<16xf32>
      %mul3A_258 = arith.mulf %get3A_257, %mul3A_250 : vector<16xf32>
      %swap3A_259 = arith.index_cast %add3A_235 : i32 to index
      %swap3A_260 = tpu.vector_load %arg11[%swap3A_259] {strides = array<i32>} : memref<640xf32, #tpu.memory_space<vmem>>, vector<16xf32>,
      %swap3A_261 = vector.shape_cast %swap3A_260 : vector<16xf32> to vector<16xf32>
      %swap3A_262 = vector.shape_cast %mul3A_258 : vector<16xf32> to vector<16xf32>
      tpu.vector_store %arg11[%swap3A_259], %swap3A_262 {strides = array<i32>} : memref<640xf32, #tpu.memory_space<vmem>>, vector<16xf32>,
      %mul3A_263 = arith.constant 4 : i32
      %mul3A_264 = arith.muli %scan3A_197, %mul3A_263 : i32
      %mul3A_265 = arith.constant 16 : i32
      %mul3A_266 = arith.muli %mul3A_264, %mul3A_265 : i32
      %add3A_267 = arith.constant 32 : i32
      %add3A_268 = arith.addi %mul3A_266, %add3A_267 : i32
      %get3A_269 = arith.index_cast %add3A_268 : i32 to index
      %get3A_270 = tpu.vector_load %arg12[%get3A_269] {strides = array<i32>} : memref<640xf32, #tpu.memory_space<vmem>>, vector<16xf32>,
      %get3A_271 = vector.shape_cast %get3A_270 : vector<16xf32> to vector<16xf32>
      %get3A_272 = arith.index_cast %add3A_268 : i32 to index
      %get3A_273 = tpu.vector_load %arg14[%get3A_272] {strides = array<i32>} : memref<640xf32, #tpu.memory_space<vmem>>, vector<16xf32>,
      %get3A_274 = vector.shape_cast %get3A_273 : vector<16xf32> to vector<16xf32>
      %get3A_275 = arith.index_cast %add3A_268 : i32 to index
      %get3A_276 = tpu.vector_load %arg13[%get3A_275] {strides = array<i32>} : memref<640xf32, #tpu.memory_space<vmem>>, vector<16xf32>,
      %get3A_277 = vector.shape_cast %get3A_276 : vector<16xf32> to vector<16xf32>
      %add3A_278 = arith.addf %get3A_274, %get3A_277 : vector<16xf32>
      %get3A_279 = arith.index_cast %add3A_268 : i32 to index
      %get3A_280 = tpu.vector_load %arg11[%get3A_279] {strides = array<i32>} : memref<640xf32, #tpu.memory_space<vmem>>, vector<16xf32>,
      %get3A_281 = vector.shape_cast %get3A_280 : vector<16xf32> to vector<16xf32>
      %add3A_282 = arith.addf %add3A_278, %get3A_281 : vector<16xf32>
      %mul3A_283 = arith.mulf %get3A_271, %add3A_282 : vector<16xf32>
      %swap3A_284 = arith.index_cast %add3A_268 : i32 to index
      %swap3A_285 = tpu.vector_load %arg10[%swap3A_284] {strides = array<i32>} : memref<640xf32, #tpu.memory_space<vmem>>, vector<16xf32>,
      %swap3A_286 = vector.shape_cast %swap3A_285 : vector<16xf32> to vector<16xf32>
      %swap3A_287 = vector.shape_cast %mul3A_283 : vector<16xf32> to vector<16xf32>
      tpu.vector_store %arg10[%swap3A_284], %swap3A_287 {strides = array<i32>} : memref<640xf32, #tpu.memory_space<vmem>>, vector<16xf32>,
      %get3A_288 = arith.index_cast %add3A_268 : i32 to index
      %get3A_289 = tpu.vector_load %arg12[%get3A_288] {strides = array<i32>} : memref<640xf32, #tpu.memory_space<vmem>>, vector<16xf32>,
      %get3A_290 = vector.shape_cast %get3A_289 : vector<16xf32> to vector<16xf32>
      %mul3A_291 = arith.mulf %get3A_290, %mul3A_283 : vector<16xf32>
      %swap3A_292 = arith.index_cast %add3A_268 : i32 to index
      %swap3A_293 = tpu.vector_load %arg11[%swap3A_292] {strides = array<i32>} : memref<640xf32, #tpu.memory_space<vmem>>, vector<16xf32>,
      %swap3A_294 = vector.shape_cast %swap3A_293 : vector<16xf32> to vector<16xf32>
      %swap3A_295 = vector.shape_cast %mul3A_291 : vector<16xf32> to vector<16xf32>
      tpu.vector_store %arg11[%swap3A_292], %swap3A_295 {strides = array<i32>} : memref<640xf32, #tpu.memory_space<vmem>>, vector<16xf32>,
      %mul3A_296 = arith.constant 4 : i32
      %mul3A_297 = arith.muli %scan3A_197, %mul3A_296 : i32
      %mul3A_298 = arith.constant 16 : i32
      %mul3A_299 = arith.muli %mul3A_297, %mul3A_298 : i32
      %add3A_300 = arith.constant 48 : i32
      %add3A_301 = arith.addi %mul3A_299, %add3A_300 : i32
      %get3A_302 = arith.index_cast %add3A_301 : i32 to index
      %get3A_303 = tpu.vector_load %arg12[%get3A_302] {strides = array<i32>} : memref<640xf32, #tpu.memory_space<vmem>>, vector<16xf32>,
      %get3A_304 = vector.shape_cast %get3A_303 : vector<16xf32> to vector<16xf32>
      %get3A_305 = arith.index_cast %add3A_301 : i32 to index
      %get3A_306 = tpu.vector_load %arg14[%get3A_305] {strides = array<i32>} : memref<640xf32, #tpu.memory_space<vmem>>, vector<16xf32>,
      %get3A_307 = vector.shape_cast %get3A_306 : vector<16xf32> to vector<16xf32>
      %get3A_308 = arith.index_cast %add3A_301 : i32 to index
      %get3A_309 = tpu.vector_load %arg13[%get3A_308] {strides = array<i32>} : memref<640xf32, #tpu.memory_space<vmem>>, vector<16xf32>,
      %get3A_310 = vector.shape_cast %get3A_309 : vector<16xf32> to vector<16xf32>
      %add3A_311 = arith.addf %get3A_307, %get3A_310 : vector<16xf32>
      %get3A_312 = arith.index_cast %add3A_301 : i32 to index
      %get3A_313 = tpu.vector_load %arg11[%get3A_312] {strides = array<i32>} : memref<640xf32, #tpu.memory_space<vmem>>, vector<16xf32>,
      %get3A_314 = vector.shape_cast %get3A_313 : vector<16xf32> to vector<16xf32>
      %add3A_315 = arith.addf %add3A_311, %get3A_314 : vector<16xf32>
      %mul3A_316 = arith.mulf %get3A_304, %add3A_315 : vector<16xf32>
      %swap3A_317 = arith.index_cast %add3A_301 : i32 to index
      %swap3A_318 = tpu.vector_load %arg10[%swap3A_317] {strides = array<i32>} : memref<640xf32, #tpu.memory_space<vmem>>, vector<16xf32>,
      %swap3A_319 = vector.shape_cast %swap3A_318 : vector<16xf32> to vector<16xf32>
      %swap3A_320 = vector.shape_cast %mul3A_316 : vector<16xf32> to vector<16xf32>
      tpu.vector_store %arg10[%swap3A_317], %swap3A_320 {strides = array<i32>} : memref<640xf32, #tpu.memory_space<vmem>>, vector<16xf32>,
      %get3A_321 = arith.index_cast %add3A_301 : i32 to index
      %get3A_322 = tpu.vector_load %arg12[%get3A_321] {strides = array<i32>} : memref<640xf32, #tpu.memory_space<vmem>>, vector<16xf32>,
      %get3A_323 = vector.shape_cast %get3A_322 : vector<16xf32> to vector<16xf32>
      %mul3A_324 = arith.mulf %get3A_323, %mul3A_316 : vector<16xf32>
      %swap3A_325 = arith.index_cast %add3A_301 : i32 to index
      %swap3A_326 = tpu.vector_load %arg11[%swap3A_325] {strides = array<i32>} : memref<640xf32, #tpu.memory_space<vmem>>, vector<16xf32>,
      %swap3A_327 = vector.shape_cast %swap3A_326 : vector<16xf32> to vector<16xf32>
      %swap3A_328 = vector.shape_cast %mul3A_324 : vector<16xf32> to vector<16xf32>
      tpu.vector_store %arg11[%swap3A_325], %swap3A_328 {strides = array<i32>} : memref<640xf32, #tpu.memory_space<vmem>>, vector<16xf32>,
      %scan3A_329 = arith.constant 0 : i32
      scf.yield %scan3A_329 : i32
    }
    %scan3A_122 = arith.constant 10 : i32
    "tpu.region"() ({
      %run_scoped3A = tpu.sem_alloc : memref<!tpu.dma_semaphore, #tpu.memory_space<semaphore_mem>>
      %dma_start3A_197 = tpu.memref_slice %arg17[%mul3A_2] : memref<10240xf32, #tpu.memory_space<vmem_shared>> -> memref<640xf32, #tpu.memory_space<vmem_shared>>
      %dma_start3A_198 = tpu.memref_slice %arg17[%mul3A_2] : memref<10240xf32, #tpu.memory_space<vmem_shared>> -> memref<640xf32, #tpu.memory_space<vmem_shared>>
      tpu.enqueue_dma source(%arg11 : memref<640xf32, #tpu.memory_space<vmem>>) target(%dma_start3A_198 : memref<640xf32, #tpu.memory_space<vmem_shared>>) target_semaphore(%run_scoped3A : memref<!tpu.dma_semaphore, #tpu.memory_space<semaphore_mem>>)
      %dma_wait3A_199 = tpu.memref_slice %arg17[%mul3A_2] : memref<10240xf32, #tpu.memory_space<vmem_shared>> -> memref<640xf32, #tpu.memory_space<vmem_shared>>
      %dma_wait3A_200 = tpu.memref_slice %arg17[%mul3A_2] : memref<10240xf32, #tpu.memory_space<vmem_shared>> -> memref<640xf32, #tpu.memory_space<vmem_shared>>
      tpu.wait_dma2 semaphore(%run_scoped3A : memref<!tpu.dma_semaphore, #tpu.memory_space<semaphore_mem>>) src(%arg11 : memref<640xf32, #tpu.memory_space<vmem>>) dst(%dma_wait3A_200 : memref<640xf32, #tpu.memory_space<vmem_shared>>)
      tpu.yield
    }) : () -> ()
    %barrier3A_123 = arith.constant 0 : index
    tpu.barrier barrier_id(%barrier3A_123)
    %dma_start3A_124 = arith.constant 0 : i32
    %dma_start3A_125 = tpu.memref_slice %arg9[%dma_start3A_124] : memref<10000xf32, #tpu.memory_space<vmem>> -> memref<5000xf32, #tpu.memory_space<vmem>>
    %dma_start3A_126 = arith.constant 0 : i32
    %dma_start3A_127 = tpu.memref_slice %arg7[%dma_start3A_126] : memref<10000xi32, #tpu.memory_space<vmem>> -> memref<5000xi32, #tpu.memory_space<vmem>>
    %dma_start3A_128 = arith.constant 0 : i32
    %dma_start3A_129 = tpu.memref_slice %arg17[%dma_start3A_128] : memref<10240xf32, #tpu.memory_space<vmem_shared>> -> memref<10240xf32, #tpu.memory_space<vmem_shared>>
    tpu.enqueue_indirect_dma source(%dma_start3A_129 : memref<10240xf32, #tpu.memory_space<vmem_shared>>) target(%dma_start3A_125 : memref<5000xf32, #tpu.memory_space<vmem>>) offsets(%dma_start3A_127 : memref<5000xi32, #tpu.memory_space<vmem>>) semaphore(%arg18 : memref<!tpu.dma_semaphore, #tpu.memory_space<semaphore_mem>>)
    %dma_start3A_130 = arith.constant 5000 : i32
    %dma_start3A_131 = tpu.memref_slice %arg9[%dma_start3A_130] : memref<10000xf32, #tpu.memory_space<vmem>> -> memref<5000xf32, #tpu.memory_space<vmem>>
    %dma_start3A_132 = arith.constant 5000 : i32
    %dma_start3A_133 = tpu.memref_slice %arg7[%dma_start3A_132] : memref<10000xi32, #tpu.memory_space<vmem>> -> memref<5000xi32, #tpu.memory_space<vmem>>
    %dma_start3A_134 = arith.constant 0 : i32
    %dma_start3A_135 = tpu.memref_slice %arg17[%dma_start3A_134] : memref<10240xf32, #tpu.memory_space<vmem_shared>> -> memref<10240xf32, #tpu.memory_space<vmem_shared>>
    tpu.enqueue_indirect_dma source(%dma_start3A_135 : memref<10240xf32, #tpu.memory_space<vmem_shared>>) target(%dma_start3A_131 : memref<5000xf32, #tpu.memory_space<vmem>>) offsets(%dma_start3A_133 : memref<5000xi32, #tpu.memory_space<vmem>>) semaphore(%arg18 : memref<!tpu.dma_semaphore, #tpu.memory_space<semaphore_mem>>)
    %dma_wait3A_136 = arith.constant 0 : i32
    %dma_wait3A_137 = tpu.memref_slice %arg9[%dma_wait3A_136] : memref<10000xf32, #tpu.memory_space<vmem>> -> memref<5000xf32, #tpu.memory_space<vmem>>
    %dma_wait3A_138 = arith.constant 0 : i32
    %dma_wait3A_139 = tpu.memref_slice %arg7[%dma_wait3A_138] : memref<10000xi32, #tpu.memory_space<vmem>> -> memref<5000xi32, #tpu.memory_space<vmem>>
    %dma_wait3A_140 = arith.constant 0 : i32
    %dma_wait3A_141 = tpu.memref_slice %arg17[%dma_wait3A_140] : memref<10240xf32, #tpu.memory_space<vmem_shared>> -> memref<10240xf32, #tpu.memory_space<vmem_shared>>
    tpu.wait_indirect_dma semaphore(%arg18 : memref<!tpu.dma_semaphore, #tpu.memory_space<semaphore_mem>>) src(%dma_wait3A_141 : memref<10240xf32, #tpu.memory_space<vmem_shared>>) dst(%dma_wait3A_137 : memref<5000xf32, #tpu.memory_space<vmem>>)
    %dma_start3A_142 = arith.constant 0 : i32
    %dma_start3A_143 = tpu.memref_slice %arg9[%dma_start3A_142] : memref<10000xf32, #tpu.memory_space<vmem>> -> memref<5000xf32, #tpu.memory_space<vmem>>
    %dma_start3A_144 = arith.constant 0 : i32
    %dma_start3A_145 = tpu.memref_slice %arg8[%dma_start3A_144] : memref<10000xi32, #tpu.memory_space<vmem>> -> memref<5000xi32, #tpu.memory_space<vmem>>
    %dma_start3A_146 = arith.constant 0 : i32
    %dma_start3A_147 = tpu.memref_slice %arg16[%dma_start3A_146] : memref<10240xf32, #tpu.memory_space<vmem_shared>> -> memref<10240xf32, #tpu.memory_space<vmem_shared>>
    tpu.enqueue_indirect_dma source(%dma_start3A_143 : memref<5000xf32, #tpu.memory_space<vmem>>) target(%dma_start3A_147 : memref<10240xf32, #tpu.memory_space<vmem_shared>>) offsets(%dma_start3A_145 : memref<5000xi32, #tpu.memory_space<vmem>>) semaphore(%arg18 : memref<!tpu.dma_semaphore, #tpu.memory_space<semaphore_mem>>) {add = true}
    %dma_wait3A_148 = arith.constant 5000 : i32
    %dma_wait3A_149 = tpu.memref_slice %arg9[%dma_wait3A_148] : memref<10000xf32, #tpu.memory_space<vmem>> -> memref<5000xf32, #tpu.memory_space<vmem>>
    %dma_wait3A_150 = arith.constant 5000 : i32
    %dma_wait3A_151 = tpu.memref_slice %arg7[%dma_wait3A_150] : memref<10000xi32, #tpu.memory_space<vmem>> -> memref<5000xi32, #tpu.memory_space<vmem>>
    %dma_wait3A_152 = arith.constant 0 : i32
    %dma_wait3A_153 = tpu.memref_slice %arg17[%dma_wait3A_152] : memref<10240xf32, #tpu.memory_space<vmem_shared>> -> memref<10240xf32, #tpu.memory_space<vmem_shared>>
    tpu.wait_indirect_dma semaphore(%arg18 : memref<!tpu.dma_semaphore, #tpu.memory_space<semaphore_mem>>) src(%dma_wait3A_153 : memref<10240xf32, #tpu.memory_space<vmem_shared>>) dst(%dma_wait3A_149 : memref<5000xf32, #tpu.memory_space<vmem>>)
    %dma_start3A_154 = arith.constant 5000 : i32
    %dma_start3A_155 = tpu.memref_slice %arg9[%dma_start3A_154] : memref<10000xf32, #tpu.memory_space<vmem>> -> memref<5000xf32, #tpu.memory_space<vmem>>
    %dma_start3A_156 = arith.constant 5000 : i32
    %dma_start3A_157 = tpu.memref_slice %arg8[%dma_start3A_156] : memref<10000xi32, #tpu.memory_space<vmem>> -> memref<5000xi32, #tpu.memory_space<vmem>>
    %dma_start3A_158 = arith.constant 0 : i32
    %dma_start3A_159 = tpu.memref_slice %arg16[%dma_start3A_158] : memref<10240xf32, #tpu.memory_space<vmem_shared>> -> memref<10240xf32, #tpu.memory_space<vmem_shared>>
    tpu.enqueue_indirect_dma source(%dma_start3A_155 : memref<5000xf32, #tpu.memory_space<vmem>>) target(%dma_start3A_159 : memref<10240xf32, #tpu.memory_space<vmem_shared>>) offsets(%dma_start3A_157 : memref<5000xi32, #tpu.memory_space<vmem>>) semaphore(%arg18 : memref<!tpu.dma_semaphore, #tpu.memory_space<semaphore_mem>>) {add = true}
    %dma_wait3A_160 = arith.constant 0 : i32
    %dma_wait3A_161 = tpu.memref_slice %arg9[%dma_wait3A_160] : memref<10000xf32, #tpu.memory_space<vmem>> -> memref<5000xf32, #tpu.memory_space<vmem>>
    %dma_wait3A_162 = arith.constant 0 : i32
    %dma_wait3A_163 = tpu.memref_slice %arg8[%dma_wait3A_162] : memref<10000xi32, #tpu.memory_space<vmem>> -> memref<5000xi32, #tpu.memory_space<vmem>>
    %dma_wait3A_164 = arith.constant 0 : i32
    %dma_wait3A_165 = tpu.memref_slice %arg16[%dma_wait3A_164] : memref<10240xf32, #tpu.memory_space<vmem_shared>> -> memref<10240xf32, #tpu.memory_space<vmem_shared>>
    tpu.wait_indirect_dma semaphore(%arg18 : memref<!tpu.dma_semaphore, #tpu.memory_space<semaphore_mem>>) src(%dma_wait3A_161 : memref<5000xf32, #tpu.memory_space<vmem>>) dst(%dma_wait3A_165 : memref<10240xf32, #tpu.memory_space<vmem_shared>>)
    %dma_wait3A_166 = arith.constant 5000 : i32
    %dma_wait3A_167 = tpu.memref_slice %arg9[%dma_wait3A_166] : memref<10000xf32, #tpu.memory_space<vmem>> -> memref<5000xf32, #tpu.memory_space<vmem>>
    %dma_wait3A_168 = arith.constant 5000 : i32
    %dma_wait3A_169 = tpu.memref_slice %arg8[%dma_wait3A_168] : memref<10000xi32, #tpu.memory_space<vmem>> -> memref<5000xi32, #tpu.memory_space<vmem>>
    %dma_wait3A_170 = arith.constant 0 : i32
    %dma_wait3A_171 = tpu.memref_slice %arg16[%dma_wait3A_170] : memref<10240xf32, #tpu.memory_space<vmem_shared>> -> memref<10240xf32, #tpu.memory_space<vmem_shared>>
    tpu.wait_indirect_dma semaphore(%arg18 : memref<!tpu.dma_semaphore, #tpu.memory_space<semaphore_mem>>) src(%dma_wait3A_167 : memref<5000xf32, #tpu.memory_space<vmem>>) dst(%dma_wait3A_171 : memref<10240xf32, #tpu.memory_space<vmem_shared>>)
    %barrier3A_172 = arith.constant 0 : index
    tpu.barrier barrier_id(%barrier3A_172)
    %eq3A = arith.constant 1 : i32
    %eq3A_173 = arith.cmpi eq, %arg0, %eq3A : i32
    %convert_element_type3A = arith.extui %eq3A_173 : i1 to i32
    %cond3A = arith.constant 0 : i32
    %cond3A_174 = arith.cmpi ne, %convert_element_type3A, %cond3A : i32
    scf.if %cond3A_174 {
      "tpu.region"() ({
        %run_scoped3A = tpu.sem_alloc : memref<!tpu.dma_semaphore, #tpu.memory_space<semaphore_mem>>
        %dma_start3A_199 = tpu.memref_slice %arg16[%mul3A_2] : memref<10240xf32, #tpu.memory_space<vmem_shared>> -> memref<640xf32, #tpu.memory_space<vmem_shared>>
        %dma_start3A_200 = tpu.memref_slice %arg16[%mul3A_2] : memref<10240xf32, #tpu.memory_space<vmem_shared>> -> memref<640xf32, #tpu.memory_space<vmem_shared>>
        tpu.enqueue_dma source(%dma_start3A_200 : memref<640xf32, #tpu.memory_space<vmem_shared>>) target(%arg14 : memref<640xf32, #tpu.memory_space<vmem>>) target_semaphore(%run_scoped3A : memref<!tpu.dma_semaphore, #tpu.memory_space<semaphore_mem>>)
        %dma_wait3A_201 = tpu.memref_slice %arg16[%mul3A_2] : memref<10240xf32, #tpu.memory_space<vmem_shared>> -> memref<640xf32, #tpu.memory_space<vmem_shared>>
        %dma_wait3A_202 = tpu.memref_slice %arg16[%mul3A_2] : memref<10240xf32, #tpu.memory_space<vmem_shared>> -> memref<640xf32, #tpu.memory_space<vmem_shared>>
        tpu.wait_dma2 semaphore(%run_scoped3A : memref<!tpu.dma_semaphore, #tpu.memory_space<semaphore_mem>>) src(%dma_wait3A_202 : memref<640xf32, #tpu.memory_space<vmem_shared>>) dst(%arg14 : memref<640xf32, #tpu.memory_space<vmem>>)
        tpu.yield
      }) : () -> ()
      %add3A_197 = arith.constant 10240 : i32
      %add3A_198 = arith.addi %add3A_197, %mul3A_2 : i32
      "tpu.region"() ({
        %run_scoped3A = tpu.sem_alloc : memref<!tpu.dma_semaphore, #tpu.memory_space<semaphore_mem>>
        %dma_start3A_199 = tpu.memref_slice %arg6[%add3A_198] : memref<20480xf32, #tpu.memory_space<hbm>> -> memref<640xf32, #tpu.memory_space<hbm>>
        %dma_start3A_200 = tpu.memref_slice %arg6[%add3A_198] : memref<20480xf32, #tpu.memory_space<hbm>> -> memref<640xf32, #tpu.memory_space<hbm>>
        tpu.enqueue_dma source(%arg14 : memref<640xf32, #tpu.memory_space<vmem>>) target(%dma_start3A_200 : memref<640xf32, #tpu.memory_space<hbm>>) target_semaphore(%run_scoped3A : memref<!tpu.dma_semaphore, #tpu.memory_space<semaphore_mem>>)
        %dma_wait3A_201 = tpu.memref_slice %arg6[%add3A_198] : memref<20480xf32, #tpu.memory_space<hbm>> -> memref<640xf32, #tpu.memory_space<hbm>>
        %dma_wait3A_202 = tpu.memref_slice %arg6[%add3A_198] : memref<20480xf32, #tpu.memory_space<hbm>> -> memref<640xf32, #tpu.memory_space<hbm>>
        tpu.wait_dma2 semaphore(%run_scoped3A : memref<!tpu.dma_semaphore, #tpu.memory_space<semaphore_mem>>) src(%arg14 : memref<640xf32, #tpu.memory_space<vmem>>) dst(%dma_wait3A_202 : memref<640xf32, #tpu.memory_space<hbm>>)
        tpu.yield
      }) : () -> ()
    } else {
    }
    %sub3A_175 = arith.constant 1 : i32
    %sub3A_176 = arith.subi %sub3A_175, %arg0 : i32
    %semaphore_signal3A_177 = arith.constant 1 : i32
    tpu.sem_signal %arg19, %semaphore_signal3A_177 core_id %sub3A_176 : memref<!tpu.semaphore, #tpu.memory_space<semaphore_mem>>
    %semaphore_wait3A_178 = arith.constant 1 : i32
    %semaphore_wait3A_179 = arith.constant true
    tpu.sem_wait %arg19, %semaphore_wait3A_178 : memref<!tpu.semaphore, #tpu.memory_space<semaphore_mem>>
    %eq3A_180 = arith.constant 0 : i32
    %eq3A_181 = arith.cmpi eq, %arg0, %eq3A_180 : i32
    %convert_element_type3A_182 = arith.extui %eq3A_181 : i1 to i32
    %cond3A_183 = arith.constant 0 : i32
    %cond3A_184 = arith.cmpi ne, %convert_element_type3A_182, %cond3A_183 : i32
    scf.if %cond3A_184 {
      %add3A_197 = arith.constant 10240 : i32
      %add3A_198 = arith.addi %add3A_197, %mul3A_2 : i32
      %dma_start3A_199 = tpu.memref_slice %arg6[%add3A_198] : memref<20480xf32, #tpu.memory_space<hbm>> -> memref<640xf32, #tpu.memory_space<hbm>>
      %dma_start3A_200 = tpu.memref_slice %arg6[%add3A_198] : memref<20480xf32, #tpu.memory_space<hbm>> -> memref<640xf32, #tpu.memory_space<hbm>>
      tpu.enqueue_dma source(%dma_start3A_200 : memref<640xf32, #tpu.memory_space<hbm>>) target(%arg13 : memref<640xf32, #tpu.memory_space<vmem>>) target_semaphore(%arg18 : memref<!tpu.dma_semaphore, #tpu.memory_space<semaphore_mem>>)
      "tpu.region"() ({
        %run_scoped3A = tpu.sem_alloc : memref<!tpu.dma_semaphore, #tpu.memory_space<semaphore_mem>>
        %dma_start3A_203 = tpu.memref_slice %arg16[%mul3A_2] : memref<10240xf32, #tpu.memory_space<vmem_shared>> -> memref<640xf32, #tpu.memory_space<vmem_shared>>
        %dma_start3A_204 = tpu.memref_slice %arg16[%mul3A_2] : memref<10240xf32, #tpu.memory_space<vmem_shared>> -> memref<640xf32, #tpu.memory_space<vmem_shared>>
        tpu.enqueue_dma source(%dma_start3A_204 : memref<640xf32, #tpu.memory_space<vmem_shared>>) target(%arg14 : memref<640xf32, #tpu.memory_space<vmem>>) target_semaphore(%run_scoped3A : memref<!tpu.dma_semaphore, #tpu.memory_space<semaphore_mem>>)
        %dma_wait3A_205 = tpu.memref_slice %arg16[%mul3A_2] : memref<10240xf32, #tpu.memory_space<vmem_shared>> -> memref<640xf32, #tpu.memory_space<vmem_shared>>
        %dma_wait3A_206 = tpu.memref_slice %arg16[%mul3A_2] : memref<10240xf32, #tpu.memory_space<vmem_shared>> -> memref<640xf32, #tpu.memory_space<vmem_shared>>
        tpu.wait_dma2 semaphore(%run_scoped3A : memref<!tpu.dma_semaphore, #tpu.memory_space<semaphore_mem>>) src(%dma_wait3A_206 : memref<640xf32, #tpu.memory_space<vmem_shared>>) dst(%arg14 : memref<640xf32, #tpu.memory_space<vmem>>)
        tpu.yield
      }) : () -> ()
      %dma_wait3A_201 = tpu.memref_slice %arg6[%add3A_198] : memref<20480xf32, #tpu.memory_space<hbm>> -> memref<640xf32, #tpu.memory_space<hbm>>
      %dma_wait3A_202 = tpu.memref_slice %arg6[%add3A_198] : memref<20480xf32, #tpu.memory_space<hbm>> -> memref<640xf32, #tpu.memory_space<hbm>>
      tpu.wait_dma2 semaphore(%arg18 : memref<!tpu.dma_semaphore, #tpu.memory_space<semaphore_mem>>) src(%dma_wait3A_202 : memref<640xf32, #tpu.memory_space<hbm>>) dst(%arg13 : memref<640xf32, #tpu.memory_space<vmem>>)
    } else {
    }
    %scan3A_185 = arith.constant 0 : i32
    %scan3A_186 = arith.constant 0 : i32
    %scan3A_187 = arith.constant 10 : i32
    %scan3A_188 = arith.addi %scan3A_186, %scan3A_187 : i32
    %scan3A_189 = arith.constant 1 : i32
    %scan3A_190 = scf.for %scan3A_197 = %scan3A_186 to %scan3A_188 step %scan3A_189 iter_args(%scan3A_198 = %scan3A_185) -> (i32)  : i32 {
      %mul3A_199 = arith.constant 4 : i32
      %mul3A_200 = arith.muli %scan3A_197, %mul3A_199 : i32
      %mul3A_201 = arith.constant 16 : i32
      %mul3A_202 = arith.muli %mul3A_200, %mul3A_201 : i32
      %add3A_203 = arith.constant 0 : i32
      %add3A_204 = arith.addi %mul3A_202, %add3A_203 : i32
      %get3A = arith.index_cast %add3A_204 : i32 to index
      %get3A_205 = tpu.vector_load %arg12[%get3A] {strides = array<i32>} : memref<640xf32, #tpu.memory_space<vmem>>, vector<16xf32>,
      %get3A_206 = vector.shape_cast %get3A_205 : vector<16xf32> to vector<16xf32>
      %get3A_207 = arith.index_cast %add3A_204 : i32 to index
      %get3A_208 = tpu.vector_load %arg14[%get3A_207] {strides = array<i32>} : memref<640xf32, #tpu.memory_space<vmem>>, vector<16xf32>,
      %get3A_209 = vector.shape_cast %get3A_208 : vector<16xf32> to vector<16xf32>
      %get3A_210 = arith.index_cast %add3A_204 : i32 to index
      %get3A_211 = tpu.vector_load %arg13[%get3A_210] {strides = array<i32>} : memref<640xf32, #tpu.memory_space<vmem>>, vector<16xf32>,
      %get3A_212 = vector.shape_cast %get3A_211 : vector<16xf32> to vector<16xf32>
      %add3A_213 = arith.addf %get3A_209, %get3A_212 : vector<16xf32>
      %get3A_214 = arith.index_cast %add3A_204 : i32 to index
      %get3A_215 = tpu.vector_load %arg11[%get3A_214] {strides = array<i32>} : memref<640xf32, #tpu.memory_space<vmem>>, vector<16xf32>,
      %get3A_216 = vector.shape_cast %get3A_215 : vector<16xf32> to vector<16xf32>
      %add3A_217 = arith.addf %add3A_213, %get3A_216 : vector<16xf32>
      %mul3A_218 = arith.mulf %get3A_206, %add3A_217 : vector<16xf32>
      %swap3A = arith.index_cast %add3A_204 : i32 to index
      %swap3A_219 = tpu.vector_load %arg10[%swap3A] {strides = array<i32>} : memref<640xf32, #tpu.memory_space<vmem>>, vector<16xf32>,
      %swap3A_220 = vector.shape_cast %swap3A_219 : vector<16xf32> to vector<16xf32>
      %swap3A_221 = vector.shape_cast %mul3A_218 : vector<16xf32> to vector<16xf32>
      tpu.vector_store %arg10[%swap3A], %swap3A_221 {strides = array<i32>} : memref<640xf32, #tpu.memory_space<vmem>>, vector<16xf32>,
      %mul3A_222 = arith.constant 4 : i32
      %mul3A_223 = arith.muli %scan3A_197, %mul3A_222 : i32
      %mul3A_224 = arith.constant 16 : i32
      %mul3A_225 = arith.muli %mul3A_223, %mul3A_224 : i32
      %add3A_226 = arith.constant 16 : i32
      %add3A_227 = arith.addi %mul3A_225, %add3A_226 : i32
      %get3A_228 = arith.index_cast %add3A_227 : i32 to index
      %get3A_229 = tpu.vector_load %arg12[%get3A_228] {strides = array<i32>} : memref<640xf32, #tpu.memory_space<vmem>>, vector<16xf32>,
      %get3A_230 = vector.shape_cast %get3A_229 : vector<16xf32> to vector<16xf32>
      %get3A_231 = arith.index_cast %add3A_227 : i32 to index
      %get3A_232 = tpu.vector_load %arg14[%get3A_231] {strides = array<i32>} : memref<640xf32, #tpu.memory_space<vmem>>, vector<16xf32>,
      %get3A_233 = vector.shape_cast %get3A_232 : vector<16xf32> to vector<16xf32>
      %get3A_234 = arith.index_cast %add3A_227 : i32 to index
      %get3A_235 = tpu.vector_load %arg13[%get3A_234] {strides = array<i32>} : memref<640xf32, #tpu.memory_space<vmem>>, vector<16xf32>,
      %get3A_236 = vector.shape_cast %get3A_235 : vector<16xf32> to vector<16xf32>
      %add3A_237 = arith.addf %get3A_233, %get3A_236 : vector<16xf32>
      %get3A_238 = arith.index_cast %add3A_227 : i32 to index
      %get3A_239 = tpu.vector_load %arg11[%get3A_238] {strides = array<i32>} : memref<640xf32, #tpu.memory_space<vmem>>, vector<16xf32>,
      %get3A_240 = vector.shape_cast %get3A_239 : vector<16xf32> to vector<16xf32>
      %add3A_241 = arith.addf %add3A_237, %get3A_240 : vector<16xf32>
      %mul3A_242 = arith.mulf %get3A_230, %add3A_241 : vector<16xf32>
      %swap3A_243 = arith.index_cast %add3A_227 : i32 to index
      %swap3A_244 = tpu.vector_load %arg10[%swap3A_243] {strides = array<i32>} : memref<640xf32, #tpu.memory_space<vmem>>, vector<16xf32>,
      %swap3A_245 = vector.shape_cast %swap3A_244 : vector<16xf32> to vector<16xf32>
      %swap3A_246 = vector.shape_cast %mul3A_242 : vector<16xf32> to vector<16xf32>
      tpu.vector_store %arg10[%swap3A_243], %swap3A_246 {strides = array<i32>} : memref<640xf32, #tpu.memory_space<vmem>>, vector<16xf32>,
      %mul3A_247 = arith.constant 4 : i32
      %mul3A_248 = arith.muli %scan3A_197, %mul3A_247 : i32
      %mul3A_249 = arith.constant 16 : i32
      %mul3A_250 = arith.muli %mul3A_248, %mul3A_249 : i32
      %add3A_251 = arith.constant 32 : i32
      %add3A_252 = arith.addi %mul3A_250, %add3A_251 : i32
      %get3A_253 = arith.index_cast %add3A_252 : i32 to index
      %get3A_254 = tpu.vector_load %arg12[%get3A_253] {strides = array<i32>} : memref<640xf32, #tpu.memory_space<vmem>>, vector<16xf32>,
      %get3A_255 = vector.shape_cast %get3A_254 : vector<16xf32> to vector<16xf32>
      %get3A_256 = arith.index_cast %add3A_252 : i32 to index
      %get3A_257 = tpu.vector_load %arg14[%get3A_256] {strides = array<i32>} : memref<640xf32, #tpu.memory_space<vmem>>, vector<16xf32>,
      %get3A_258 = vector.shape_cast %get3A_257 : vector<16xf32> to vector<16xf32>
      %get3A_259 = arith.index_cast %add3A_252 : i32 to index
      %get3A_260 = tpu.vector_load %arg13[%get3A_259] {strides = array<i32>} : memref<640xf32, #tpu.memory_space<vmem>>, vector<16xf32>,
      %get3A_261 = vector.shape_cast %get3A_260 : vector<16xf32> to vector<16xf32>
      %add3A_262 = arith.addf %get3A_258, %get3A_261 : vector<16xf32>
      %get3A_263 = arith.index_cast %add3A_252 : i32 to index
      %get3A_264 = tpu.vector_load %arg11[%get3A_263] {strides = array<i32>} : memref<640xf32, #tpu.memory_space<vmem>>, vector<16xf32>,
      %get3A_265 = vector.shape_cast %get3A_264 : vector<16xf32> to vector<16xf32>
      %add3A_266 = arith.addf %add3A_262, %get3A_265 : vector<16xf32>
      %mul3A_267 = arith.mulf %get3A_255, %add3A_266 : vector<16xf32>
      %swap3A_268 = arith.index_cast %add3A_252 : i32 to index
      %swap3A_269 = tpu.vector_load %arg10[%swap3A_268] {strides = array<i32>} : memref<640xf32, #tpu.memory_space<vmem>>, vector<16xf32>,
      %swap3A_270 = vector.shape_cast %swap3A_269 : vector<16xf32> to vector<16xf32>
      %swap3A_271 = vector.shape_cast %mul3A_267 : vector<16xf32> to vector<16xf32>
      tpu.vector_store %arg10[%swap3A_268], %swap3A_271 {strides = array<i32>} : memref<640xf32, #tpu.memory_space<vmem>>, vector<16xf32>,
      %mul3A_272 = arith.constant 4 : i32
      %mul3A_273 = arith.muli %scan3A_197, %mul3A_272 : i32
      %mul3A_274 = arith.constant 16 : i32
      %mul3A_275 = arith.muli %mul3A_273, %mul3A_274 : i32
      %add3A_276 = arith.constant 48 : i32
      %add3A_277 = arith.addi %mul3A_275, %add3A_276 : i32
      %get3A_278 = arith.index_cast %add3A_277 : i32 to index
      %get3A_279 = tpu.vector_load %arg12[%get3A_278] {strides = array<i32>} : memref<640xf32, #tpu.memory_space<vmem>>, vector<16xf32>,
      %get3A_280 = vector.shape_cast %get3A_279 : vector<16xf32> to vector<16xf32>
      %get3A_281 = arith.index_cast %add3A_277 : i32 to index
      %get3A_282 = tpu.vector_load %arg14[%get3A_281] {strides = array<i32>} : memref<640xf32, #tpu.memory_space<vmem>>, vector<16xf32>,
      %get3A_283 = vector.shape_cast %get3A_282 : vector<16xf32> to vector<16xf32>
      %get3A_284 = arith.index_cast %add3A_277 : i32 to index
      %get3A_285 = tpu.vector_load %arg13[%get3A_284] {strides = array<i32>} : memref<640xf32, #tpu.memory_space<vmem>>, vector<16xf32>,
      %get3A_286 = vector.shape_cast %get3A_285 : vector<16xf32> to vector<16xf32>
      %add3A_287 = arith.addf %get3A_283, %get3A_286 : vector<16xf32>
      %get3A_288 = arith.index_cast %add3A_277 : i32 to index
      %get3A_289 = tpu.vector_load %arg11[%get3A_288] {strides = array<i32>} : memref<640xf32, #tpu.memory_space<vmem>>, vector<16xf32>,
      %get3A_290 = vector.shape_cast %get3A_289 : vector<16xf32> to vector<16xf32>
      %add3A_291 = arith.addf %add3A_287, %get3A_290 : vector<16xf32>
      %mul3A_292 = arith.mulf %get3A_280, %add3A_291 : vector<16xf32>
      %swap3A_293 = arith.index_cast %add3A_277 : i32 to index
      %swap3A_294 = tpu.vector_load %arg10[%swap3A_293] {strides = array<i32>} : memref<640xf32, #tpu.memory_space<vmem>>, vector<16xf32>,
      %swap3A_295 = vector.shape_cast %swap3A_294 : vector<16xf32> to vector<16xf32>
      %swap3A_296 = vector.shape_cast %mul3A_292 : vector<16xf32> to vector<16xf32>
      tpu.vector_store %arg10[%swap3A_293], %swap3A_296 {strides = array<i32>} : memref<640xf32, #tpu.memory_space<vmem>>, vector<16xf32>,
      %scan3A_297 = arith.constant 0 : i32
      scf.yield %scan3A_297 : i32
    }
    %scan3A_191 = arith.constant 10 : i32
    %eq3A_192 = arith.constant 0 : i32
    %eq3A_193 = arith.cmpi eq, %arg0, %eq3A_192 : i32
    %convert_element_type3A_194 = arith.extui %eq3A_193 : i1 to i32
    %cond3A_195 = arith.constant 0 : i32
    %cond3A_196 = arith.cmpi ne, %convert_element_type3A_194, %cond3A_195 : i32
    scf.if %cond3A_196 {
      "tpu.region"() ({
        %run_scoped3A = tpu.sem_alloc : memref<!tpu.dma_semaphore, #tpu.memory_space<semaphore_mem>>
        %dma_start3A_197 = tpu.memref_slice %arg5[%mul3A_2] : memref<10240xf32, #tpu.memory_space<hbm>> -> memref<640xf32, #tpu.memory_space<hbm>>
        %dma_start3A_198 = tpu.memref_slice %arg5[%mul3A_2] : memref<10240xf32, #tpu.memory_space<hbm>> -> memref<640xf32, #tpu.memory_space<hbm>>
        tpu.enqueue_dma source(%arg10 : memref<640xf32, #tpu.memory_space<vmem>>) target(%dma_start3A_198 : memref<640xf32, #tpu.memory_space<hbm>>) target_semaphore(%run_scoped3A : memref<!tpu.dma_semaphore, #tpu.memory_space<semaphore_mem>>)
        %dma_wait3A_199 = tpu.memref_slice %arg5[%mul3A_2] : memref<10240xf32, #tpu.memory_space<hbm>> -> memref<640xf32, #tpu.memory_space<hbm>>
        %dma_wait3A_200 = tpu.memref_slice %arg5[%mul3A_2] : memref<10240xf32, #tpu.memory_space<hbm>> -> memref<640xf32, #tpu.memory_space<hbm>>
        tpu.wait_dma2 semaphore(%run_scoped3A : memref<!tpu.dma_semaphore, #tpu.memory_space<semaphore_mem>>) src(%arg10 : memref<640xf32, #tpu.memory_space<vmem>>) dst(%dma_wait3A_200 : memref<640xf32, #tpu.memory_space<hbm>>)
        tpu.yield
      }) : () -> ()
    } else {
    }
    return
  }
}

module attributes {stable_mosaic.version = 14 : i64} {
  func.func @body(%arg0: i32, %arg1: memref<1000x128xf32, #tpu.memory_space<vmem>>, %arg2: memref<1x128xf32, #tpu.memory_space<vmem>>, %arg3: memref<1000x1xf32, #tpu.memory_space<vmem>>) attributes {dimension_semantics = [#tpu.dimension_semantics<arbitrary>], iteration_bounds = array<i64: 10>, scalar_prefetch = 0 : i64, scratch_operands = 0 : i64, tpu.core_type = #tpu.core_type<tc>, window_params = [{transform_indices = @transform_0, window_bounds = array<i64: 1000, 128>}, {pipeline_mode = #tpu.pipeline_mode<synchronous>, transform_indices = @transform_1, window_bounds = array<i64: 1, 128>}, {transform_indices = @transform_2, window_bounds = array<i64: 1000, 1>}]} {
    %get3A = arith.constant 0 : index
    %get3A_0 = arith.constant 0 : index
    %get3A_1 = vector.load %arg1[%get3A, %get3A_0] : memref<1000x128xf32, #tpu.memory_space<vmem>>, vector<1000x128xf32>
    %get3A_2 = arith.constant 0 : index
    %get3A_3 = arith.constant 0 : index
    %get3A_4 = vector.load %arg2[%get3A_2, %get3A_3] : memref<1x128xf32, #tpu.memory_space<vmem>>, vector<1x128xf32>
    %mul3A = vector.broadcast %get3A_4 : vector<1x128xf32> to vector<1000x128xf32>
    %mul3A_5 = arith.mulf %get3A_1, %mul3A : vector<1000x128xf32>
    %reduce_sum3A = arith.constant dense<0.000000e+00> : vector<1000xf32>
    %reduce_sum3A_6 = vector.multi_reduction <add>, %mul3A_5, %reduce_sum3A [1] : vector<1000x128xf32> to vector<1000xf32>
    %broadcast_in_dim3A = vector.shape_cast %reduce_sum3A_6 : vector<1000xf32> to vector<1000x1xf32>
    %swap3A = arith.constant 0 : index
    %swap3A_7 = arith.constant 0 : index
    %swap3A_8 = vector.load %arg3[%swap3A, %swap3A_7] : memref<1000x1xf32, #tpu.memory_space<vmem>>, vector<1000x1xf32>
    tpu.vector_store %arg3[%swap3A, %swap3A_7], %broadcast_in_dim3A {strides = array<i32>} : memref<1000x1xf32, #tpu.memory_space<vmem>>, vector<1000x1xf32>,
    return
  }
  func.func @transform_0(%arg0: i32) -> (i32, i32) {
    %c0_i32 = arith.constant 0 : i32
    %c0_i32_0 = arith.constant 0 : i32
    return %arg0, %c0_i32 : i32, i32
  }
  func.func @transform_1(%arg0: i32) -> (i32, i32) {
    %c0_i32 = arith.constant 0 : i32
    %c0_i32_0 = arith.constant 0 : i32
    %c0_i32_1 = arith.constant 0 : i32
    return %c0_i32, %c0_i32_0 : i32, i32
  }
  func.func @transform_2(%arg0: i32) -> (i32, i32) {
    %c0_i32 = arith.constant 0 : i32
    %c0_i32_0 = arith.constant 0 : i32
    return %arg0, %c0_i32 : i32, i32
  }
}

</mosaic_0001>

<sc_bundles>
// kernel: kernel.4.cloned.1.call-start
scs
__scs_entry_jumppad:
0x0: {  	(pc) =	sbr.rel $0x88, $3  }
0x1: {  	(tag) =	ssettag $0x0;
	lr =	simm.s32 $0x1  }
0x2: {  	[smem:$0x3F9D] =	sst lr;
	_ =	strace $0xD0000000  }
0x3: {  	_ = 	snop  }
0x4: {  	_ = 	snop  }
0x5: {  	_ = 	snop  }
0x6: {  	_ = 	snop  }
0x7: {  	_ = 	snop  }
__scs_overlays_trampoline_lowered:
0x8: {  	[smem:$0x3FAC] =	sst s0  }
0x9: {  	[smem:$0x3FAD] =	sst s1  }
0xa: {  	[smem:$0x3FAE] =	sst s2  }
0xb: {  	[smem:$0x3FAF] =	sst s3  }
0xc: {  	[smem:$0x3FB0] =	sst s4  }
0xd: {  	[smem:$0x3FB1] =	sst s5  }
0xe: {  	[smem:$0x3FB2] =	sst s6  }
0xf: {  	[smem:$0x3FB3] =	sst s7  }
0x10: {  	[smem:$0x3FB4] =	sst s8  }
0x11: {  	[smem:$0x3FB5] =	sst s9;
	s0 =	simm.s32 @!p0 $0x0  }
0x12: {  	s1 =	sld [smem:$0x3F9B];
	s0 =	simm.s32 @p0 $0x1  }
0x13: {  	[smem:$0x3FB6] =	sst s0;
	s0 =	simm.s32 @!p1 $0x0  }
0x14: {  	s2 =	sld [smem:$0x3F9A];
	s0 =	simm.s32 @p1 $0x1  }
0x15: {  	[smem:$0x3FB7] =	sst s0;
	s0 =	simm.s32 @!p2 $0x0  }
0x16: {  	s3 =	sld [smem:$0x3FDB];
	s0 =	simm.s32 @p2 $0x1  }
0x17: {  	s4 =	simm.s32 $0x1BF5;
	[smem:$0x3FB9] =	sst s0  }
0x18: {  	s0 =	sld [smem:$0x3F9C];
	_ =	swait.ge [sflag:s4], $0x0  }
0x19: {  	s7 =	sld [smem:$0x3F9D]  }
0x1a: {  	s8 =	sadd.s32 $0xFFFFE003, lr  }
0x1b: {  	s9 =	sadd.s32 $0xFFFFFEF7, lr;
	s5 =	simm.s32 $0xFFFFFFFF;
	p2 =	slt.u32 s8, $0xFFFFF086  }
0x1c: {  	p1 =	slt.u32 s9, $0xF7A;
	s5 =	simm.s32 @!p2 $0x0  }
0x1d: {  	s5 =	simm.s32 @p1 $0x1;
	p0 =	seq.s32 s7, s2  }
0x1e: {  	s7 =	smul.u32 @!p0 $0xF7A, s2;
	p2 =	seq.s32 @!p0 s5, $0x0  }
0x1f: {  	s9 =	smul.u32 $0xF7A, s1;
	s8 =	simm.s32 @!p0 $0x1BF5;
	p2 =	por !p2, p0  }
0x20: {  	[sflag:s8] =	ssyncset.s32 @!p0 $0xFFFFF086;
	s6 =	sadd.s32 @!p0 s3, s7;
	s7 =	simm.s32 @!p0 $0x108  }
0x21: {  	s3 =	sadd.s32 s3, s9;
	s6 =	sadd.s32 @!p0 $0x88, s6;
	s7 =	simm.s32 @p2 $0x1082  }
0x22: {  	[simem:s7], [sflag:s8] =	dma.local @!p0 [hbm:s6], $0xF7A  }
0x23: {  	s9 =	sor.u32 $0xD0000000, s2;
	s6 =	simm.s32 $0x108;
	_ =	swait.ge @!p0 [sflag:s8], $0x0  }
0x24: {  	s3 =	sadd.s32 $0x88, s3;
	s6 =	simm.s32 @!p1 $0x1082;
	[sflag:s4] =	ssyncset.s32 $0xFFFFF086  }
0x25: {  	[simem:s6], [sflag:s4] =	dma.local [hbm:s3], $0xF7A  }
0x26: {  	[smem:$0x3F9D] =	sst s1;
	(tag) =	ssettag s2;
	_ =	strace s9  }
0x27: {  	s1 =	sld [smem:$0x3FAD]  }
0x28: {  	s2 =	sld [smem:$0x3FAE]  }
0x29: {  	s4 =	sld [smem:$0x3FB0]  }
0x2a: {  	p0 =	seq.s32 s5, $0x0;
	s5 =	sld [smem:$0x3FB1]  }
0x2b: {  	s6 =	sld [smem:$0x3FB2]  }
0x2c: {  	s7 =	sld [smem:$0x3FB3]  }
0x2d: {  	s3 =	simm.s32 $0x108;
	s8 =	sld [smem:$0x3FB4]  }
0x2e: {  	s3 =	simm.s32 @!p0 $0x1082;
	s9 =	sld [smem:$0x3FB5]  }
0x2f: {  	lr =	sadd.s32 s0, s3;
	s0 =	sld [smem:$0x3FAC]  }
0x30: {  	s3 =	sld [smem:$0x3FAF]  }
0x31: {  	[smem:$0x3FB8] =	sst s10  }
0x32: {  	s10 =	sld [smem:$0x3FB6];
	_ =	sdelay $0x3  }
0x33: {  	p0 =	seq.s32 s10, $0x1;
	s10 =	sld [smem:$0x3FB8];
	_ =	sdelay $0x3  }
0x34: {  	[smem:$0x3FB8] =	sst s10  }
0x35: {  	s10 =	sld [smem:$0x3FB7];
	_ =	sdelay $0x3  }
0x36: {  	p1 =	seq.s32 s10, $0x1;
	s10 =	sld [smem:$0x3FB8];
	_ =	sdelay $0x3  }
0x37: {  	[smem:$0x3FB8] =	sst s10  }
0x38: {  	s10 =	sld [smem:$0x3FB9]  }
0x39: {  	_ = 	snop;
	(pc) =	sbr.ind lr, $3  }
0x3a: {  	_ = 	snop  }
0x3b: {  	_ = 	snop  }
0x3c: {  	p2 =	seq.s32 s10, $0x1;
	s10 =	sld [smem:$0x3FB8]  }
0x3d: {  	_ =	shalt  }
0x3e: {  	_ =	shalt  }
0x3f: {  	_ =	shalt  }
0x40: {  	_ =	shalt  }
0x41: {  	_ =	shalt  }
0x42: {  	_ =	shalt  }
0x43: {  	_ =	shalt  }
0x44: {  	_ =	shalt  }
0x45: {  	_ =	shalt  }
0x46: {  	_ =	shalt  }
0x47: {  	_ =	shalt  }
0x48: {  	_ =	shalt  }
0x49: {  	_ =	shalt  }
0x4a: {  	_ =	shalt  }
0x4b: {  	_ =	shalt  }
0x4c: {  	_ =	shalt  }
0x4d: {  	_ =	shalt  }
0x4e: {  	_ =	shalt  }
0x4f: {  	_ =	shalt  }
0x50: {  	_ =	shalt  }
0x51: {  	_ =	shalt  }
0x52: {  	_ =	shalt  }
0x53: {  	_ =	shalt  }
0x54: {  	_ =	shalt  }
0x55: {  	_ =	shalt  }
0x56: {  	_ =	shalt  }
0x57: {  	_ =	shalt  }
0x58: {  	_ =	shalt  }
0x59: {  	_ =	shalt  }
0x5a: {  	_ =	shalt  }
0x5b: {  	_ =	shalt  }
0x5c: {  	_ =	shalt  }
0x5d: {  	_ =	shalt  }
0x5e: {  	_ =	shalt  }
0x5f: {  	_ =	shalt  }
0x60: {  	_ =	shalt  }
0x61: {  	_ =	shalt  }
0x62: {  	_ =	shalt  }
0x63: {  	_ =	shalt  }
0x64: {  	_ =	shalt  }
0x65: {  	_ =	shalt  }
0x66: {  	_ =	shalt  }
0x67: {  	_ =	shalt  }
0x68: {  	_ =	shalt  }
0x69: {  	_ =	shalt  }
0x6a: {  	_ =	shalt  }
0x6b: {  	_ =	shalt  }
0x6c: {  	_ =	shalt  }
0x6d: {  	_ =	shalt  }
0x6e: {  	_ =	shalt  }
0x6f: {  	_ =	shalt  }
0x70: {  	_ =	shalt  }
0x71: {  	_ =	shalt  }
0x72: {  	_ =	shalt  }
0x73: {  	_ =	shalt  }
0x74: {  	_ =	shalt  }
0x75: {  	_ =	shalt  }
0x76: {  	_ =	shalt  }
0x77: {  	_ =	shalt  }
0x78: {  	_ =	shalt  }
0x79: {  	_ =	shalt  }
0x7a: {  	_ =	shalt  }
0x7b: {  	_ =	shalt  }
0x7c: {  	_ =	shalt  }
0x7d: {  	_ =	shalt  }
0x7e: {  	_ =	shalt  }
0x7f: {  	_ =	shalt  }
0x80: {  	_ =	shalt  }
0x81: {  	_ =	shalt  }
0x82: {  	_ =	shalt  }
0x83: {  	_ =	shalt  }
0x84: {  	_ =	shalt  }
0x85: {  	_ =	shalt  }
0x86: {  	_ =	shalt  }
0x87: {  	_ =	shalt  }
.Lfunc_end0:
.L_simem_size_0:
called_computation_lowered:
.L_overlay_start_0:
0x88: {  	s2 =	sld [smem:$0x3FD9]  }
0x89: {  	s3 =	sld [smem:$0x3FFE];
	_ =	sdelay $0x1  }
0x8a: {  	s1 =	srdreg.scid  }
0x8b: {  	s0 =	sand.u32 $0x1, s1  }
0x8c: {  	s17 =	sshll.u32 s0, $0xA;
	s2 =	sadd.s32 s3, s2  }
0x8d: {  	s2 =	sadd.s32 s2, s17  }
0x8e: {  	[smem:$0x3FC4] =	sst s2  }
0x8f: {  	_ = 	snop  }
0x90: {  	s2 =	sld [smem:$0x3FD0];
	(tm) =	ssettm $0x1  }
0x91: {  	s18 =	sld [smem:$0x3FFB];
	_ =	sdelay $0x3  }
0x92: {  	_ =	strace s18  }
0x93: {  	s3 =	sld [smem:$0x3FFC];
	_ =	sdelay $0x3  }
0x94: {  	_ =	strace s3  }
0x95: {  	s3 =	sld [smem:$0x3FFD];
	_ =	sdelay $0x3  }
0x96: {  	_ =	strace s3  }
0x97: {  	_ =	strace $0x8FFFFFFF  }
0x98: {  	s19 =	sld [smem:$0x3FDB];
	_ =	sdelay $0x1  }
0x99: {  	s4 =	simm.s32 $_scs_section_size  }
0x9a: {  	s5 =	simm.s32 $_size__tile_overlayer_lowered;
	s6 =	simm.s32 $_tile_overlayer_lowered  }
0x9b: {  	s22 =	simm.s32 $0x1BFF;
	s21 =	sshll.u32 s6, $0x1;
	s3 =	sadd.s32 s4, s19  }
0x9c: {  	s7 =	simm.s32 $0x0;
	s20 =	sshll.u32 s5, $0x1;
	s5 =	sadd.s32 s21, s3  }
0x9d: {  	[timem:s7], [sflag:s22] =	dma.local [hbm:s5], s20  }
0x9e: {  	_ =	swait.ge [sflag:s22], s20  }
0x9f: {  	s4 =	ssub.s32 $0x0, s20;
	[sflag:s22] =	ssyncset.done $0x0  }
0xa0: {  	[sflag:s22] =	ssyncadd.s32 s4;
	_ =	sdelay $0x1  }
0xa1: {  	s23 =	simm.s32 $0x1B8B  }
0xa2: {  	_ =	swait.ge [sflag:s23], $0x1  }
0xa3: {  	[sflag:s23] =	ssyncset.done $0x0  }
0xa4: {  	s25 =	simm.s32 $0x1B8E;
	s24 =	sld [smem:$0x3FFE];
	[sflag:s23] =	ssyncadd.s32 $0xFFFFFFFF  }
0xa5: {  	s26 =	simm.s32 $execute0_lowered;
	[smem:$0x3FD2] =	sst s25  }
0xa6: {  	s5 =	sshll.u32 s26, $0x1;
	_ =	strace $0x80000046;
	[dreg:$0x1] =	wrdreg $0xFFFFFFFF  }
0xa7: {  	s28 =	simm.s32 $_size_execute0_lowered;
	s3 =	sadd.s32 s3, s5;
	[dreg:$0x0] =	wrdreg $0x0  }
0xa8: {  	s5 =	sshll.u32 s28, $0x1;
	[dreg:$0x2] =	wrdreg s3  }
0xa9: {  	[dreg:$0x3] =	wrdreg s5  }
0xaa: {  	[dreg:$0x4] =	wrdreg $0xC0  }
0xab: {  	_ =	task [dreg:s7], $0x5FFFF  }
0xac: {  	[dreg:$0x1] =	wrdreg $0xFFFFFFFF  }
0xad: {  	[dreg:$0x0] =	wrdreg $0x60  }
0xae: {  	[dreg:$0x2] =	wrdreg s24  }
0xaf: {  	[dreg:$0x3] =	wrdreg s2  }
0xb0: {  	[dreg:$0x4] =	wrdreg $0x85800  }
0xb1: {  	[dreg:$0x5] =	wrdreg $0x88000  }
0xb2: {  	[dreg:$0x6] =	wrdreg $0x9  }
0xb3: {  	_ =	task.clear_ibuf [dreg:s7], $0x7FFFF;
	_ =	strace $0x90000046  }
0xb4: {  	s29 =	simm.s32 $0x9;
	_ =	strace $0x80000048  }
0xb5: {  	_ =	swait.ge [sflag:s29], $0x1  }
0xb6: {  	[sflag:s29] =	ssyncadd.s32 $0xFFFFFFFF  }
0xb7: {  	_ =	strace $0x90000048  }
0xb8: {  	_ =	sfence  }
0xb9: {  	s30 =	sld [smem:$0x0];
	_ =	sdelay $0x2  }
0xba: {  	s31 =	sshll.u32 s1, $0xD;
	s1 =	sshrl.u32 s1, $0x2  }
0xbb: {  	s3 =	sand.u32 $0x4000, s31;
	s1 =	sadd.s32 s1, s30  }
0xbc: {  	s0 =	sor.u32 s3, s0;
	s1 =	sshll.u32 s1, $0x11  }
0xbd: {  	s0 =	sor.u32 s1, s0  }
0xbe: {  	s0 =	sadd.s32 $0x8F2B, s0  }
0xbf: {  	[sflag:s0] =	ssyncadd.remote.s32 $0x1  }
0xc0: {  	_ =	sfence.sel $0xFFFF  }
0xc1: {  	[dreg:$0x0] =	wrdreg $0xFFFFFFFF;
	(pc) =	sbr.abs _section_cstart, $3  }
0xc2: {  	[dreg:$0x1] =	wrdreg $0xFFFFFFFF  }
0xc3: {  	_ =	task.clear_ibuf [dreg:s7], $0x2FFFF;
	_ =	strace $0x9FFFFFFF  }
0xc4: {  	(tm) =	ssettm $0x7FFFFFFF  }
0xc5: {  	_ =	shalt  }
tec
execute0_lowered:
.L_overlay_start_1:
0x0: {  	(tag) =	ssettag $0x1  }
0x1: {  	s0 =	rddreg [dreg:$0x0]  }
0x2: {  	s5 =	rddreg [dreg:$0x1]  }
0x3: {  	s1 =	srdreg.scid;
	s2 =	rddreg [dreg:$0x2]  }
0x4: {  	s8 =	stileid.u32;
	s3 =	rddreg [dreg:$0x3]  }
0x5: {  	s18 =	simm.s32 $0x2780;
	s28 =	simm.s32 $0x2;
	s30 =	simm.s32 $0x7900  }
0x6: {  	s31 =	simm.s32 $0x1388;
	s6 =	sand.u32 $0x1, s1;
	s10 =	sadd.s32 $0x14200, s0  }
0x7: {  	s13 =	sand.u32 $0x2, s1;
	s4 =	sshll.u32 s6, $0x4;
	s9 =	ssub.s32 $0x2, s6  }
0x8: {  	s20 =	smul.u32 $0x2800, s6;
	s22 =	sxor.u32 $0x1, s6;
	p0 =	seq.s32 s6, $0x0  }
0x9: {  	p1 =	sne.s32 s6, $0x0;
	s7 =	sor.u32 s8, s4;
	s8 =	smul.u32 $0x280, s8  }
0xa: {  	s4 =	simm.s32 $0x0;
	s19 =	sshrl.u32 s9, $0x1;
	s11 =	smul.u32 $0x2800, s22  }
0xb: {  	s24 =	sor.u32 s22, s13;
	s22 =	simm.s32 $0x3;
	s7 =	smul.u32 $0x2710, s7  }
0xc: {  	[smem:$0x7FF] =	sst s4;
	s17 =	ssub.s32 s9, s19;
	s26 =	sor.u32 $0x4, s24  }
0xd: {  	s19 =	simm.s32 $0x4F00;
	s24 =	simm.s32 $0x0;
	_ =	strace $0x80000047  }
0xe: {  	s12 =	sshrl.u32 s8, $0x3;
	[dreg:$0x5] =	wrdreg s10;
	s23 =	sadd.s32 s8, s20  }
0xf: {  	s9 =	sadd.s32 s8, s2;
	s25 =	sadd.s32 s8, s11;
	s11 =	sshrl.u32 s1, $0x2  }
0x10: {  	[dreg:$0x9] =	wrdreg s26;
	s14 =	sadd.s32 s8, s3;
	s17 =	smax.u32 s17, $0x1  }
0x11: {  	s26 =	simm.s32 $0x100000;
	s8 =	simm.s32 $0x7E00;
	s1 =	simm.s32 $0x6288  }
0x12: {  	s20 =	simm.s32 $0x3B08;
	s7 =	sshrl.u32 s7, $0x3;
	s16 =	sadd.s32 s12, s0  }
0x13: {  	s5 =	sadd.s32 s5, s12;
	s29 =	sshrl.u32 s25, $0x3;
	s25 =	simm.s32 $0x8080  }
0x14: {  	s7 =	sadd.s32 s7, s0;
	s0 =	sadd.s32 $0x14800, s0;
	[dreg:$0x8] =	wrdreg s5  }
0x15: {  	s5 =	sshrl.u32 s23, $0x3;
	s16 =	sadd.s32 $0x15200, s16;
	s23 =	simm.s32 $0x1  }
0x16: {  	s21 =	sadd.s32 $0xA440, s7;
	s7 =	sadd.s32 $0x800, s7;
	s10 =	sadd.s32 s0, s5  }
0x17: {  	s13 =	sadd.s32 s0, s29;
	s0 =	sadd.s32 s0, s12;
	[dreg:$0x6] =	wrdreg s21  }
0x18: {  	v0 =	vimm.f32 $0.0e+00;
	[dreg:$0x7] =	wrdreg s7;
	s15 =	sadd.s32 $0x500, s0;
	s21 =	simm.s32 $0x8300  }
.LBB2_1:
0x19: {  	s0 =	rddreg [dreg:$0x6]  }
0x1a: {  	[tilespmem:s18], [sflag:$0x1] =	stream.linear.gather [hbm4b:s0+s4], $0x2710, $0x38;
	[tilespmem:$0x8A80] =	vst v63  }
0x1b: {  	s5 =	rddreg [dreg:$0x5]  }
0x1c: {  	[tilespmem:s19], [sflag:$0x1] =	stream.linear.gather [hbm4b:s5+s4], $0x2780, $0x38;
	[tilespmem:$0x8A80] =	vst v63  }
0x1d: {  	s6 =	rddreg [dreg:$0x7]  }
0x1e: {  	[tilespmem:s4], [sflag:$0x1] =	stream.linear.gather [hbm4b:s6+s4], $0x2710, $0x38;
	[tilespmem:$0x8A80] =	vst v63  }
0x1f: {  	s7 =	rddreg [dreg:$0x8];
	s5 =	simm.s32 $0x7680  }
0x20: {  	[tilespmem:s5], [sflag:$0x1] =	stream.linear.gather [hbm4b:s7+s4], $0x280, $0x38;
	[tilespmem:$0x8A80] =	vst v63  }
0x21: {  	[tilespmem:$0x8300] =	vst v0  }
0x22: {  	[tilespmem:$0x8310] =	vst v0  }
0x23: {  	[tilespmem:$0x8320] =	vst v0  }
0x24: {  	[tilespmem:$0x8330] =	vst v0  }
0x25: {  	[tilespmem:$0x8340] =	vst v0  }
0x26: {  	[tilespmem:$0x8350] =	vst v0  }
0x27: {  	[tilespmem:$0x8360] =	vst v0  }
0x28: {  	[tilespmem:$0x8370] =	vst v0  }
0x29: {  	[tilespmem:$0x8380] =	vst v0  }
0x2a: {  	[tilespmem:$0x8390] =	vst v0  }
0x2b: {  	[tilespmem:$0x83A0] =	vst v0  }
0x2c: {  	[tilespmem:$0x83B0] =	vst v0  }
0x2d: {  	[tilespmem:$0x83C0] =	vst v0  }
0x2e: {  	[tilespmem:$0x83D0] =	vst v0  }
0x2f: {  	[tilespmem:$0x83E0] =	vst v0  }
0x30: {  	[tilespmem:$0x83F0] =	vst v0  }
0x31: {  	[tilespmem:$0x8400] =	vst v0  }
0x32: {  	[tilespmem:$0x8410] =	vst v0  }
0x33: {  	[tilespmem:$0x8420] =	vst v0  }
0x34: {  	[tilespmem:$0x8430] =	vst v0  }
0x35: {  	[tilespmem:$0x8440] =	vst v0  }
0x36: {  	[tilespmem:$0x8450] =	vst v0  }
0x37: {  	[tilespmem:$0x8460] =	vst v0  }
0x38: {  	[tilespmem:$0x8470] =	vst v0  }
0x39: {  	[tilespmem:$0x8480] =	vst v0  }
0x3a: {  	[tilespmem:$0x8490] =	vst v0  }
0x3b: {  	[tilespmem:$0x84A0] =	vst v0  }
0x3c: {  	[tilespmem:$0x84B0] =	vst v0  }
0x3d: {  	[tilespmem:$0x84C0] =	vst v0  }
0x3e: {  	[tilespmem:$0x84D0] =	vst v0  }
0x3f: {  	[tilespmem:$0x84E0] =	vst v0  }
0x40: {  	[tilespmem:$0x84F0] =	vst v0  }
0x41: {  	[tilespmem:$0x8500] =	vst v0  }
0x42: {  	[tilespmem:$0x8510] =	vst v0  }
0x43: {  	[tilespmem:$0x8520] =	vst v0  }
0x44: {  	[tilespmem:$0x8530] =	vst v0  }
0x45: {  	[tilespmem:$0x8540] =	vst v0  }
0x46: {  	[tilespmem:$0x8550] =	vst v0  }
0x47: {  	[tilespmem:$0x8560] =	vst v0  }
0x48: {  	[tilespmem:$0x8570] =	vst v0  }
0x49: {  	[spmem:s9] =	stream.linear.scatter [tilespmem:s21], [sflag:$0x3], $0x280, $0x38;
	[tilespmem:$0x8A80] =	vst v63  }
0x4a: {  	_ =	swait.ge [sflag:s22], $0x280  }
0x4b: {  	[sflag:s22] =	ssyncset.done $0x0  }
0x4c: {  	[sflag:s22] =	ssyncadd.s32 $0xFFFFFD80  }
0x4d: {  	_ =	swait.ge [sflag:s23], $0x2710  }
0x4e: {  	[sflag:s23] =	ssyncset.done $0x0  }
0x4f: {  	[sflag:s23] =	ssyncadd.s32 $0xFFFFD8F0  }
0x50: {  	_ =	swait.ge [sflag:s23], $0x2780  }
0x51: {  	[sflag:s23] =	ssyncset.done $0x0  }
0x52: {  	[sflag:s23] =	ssyncadd.s32 $0xFFFFD880  }
0x53: {  	s12 =	simm.s32 $0x2710;
	[bflag:$0x0] =	sbarrier.arrive $0xFFFF  }
0x54: {  	[spmem:s2] =	stream.indirect.scatter.add.f32 [tilespmem:s19], [sflag:$0x1], $0x1, s18, s12, $0xb8;
	[tilespmem:$0x8A80] =	vst v63  }
0x55: {  	_ =	swait.ge [sflag:s23], $0x2710  }
0x56: {  	[sflag:s23] =	ssyncset.done $0x0  }
0x57: {  	[sflag:s23] =	ssyncadd.s32 $0xFFFFD8F0  }
0x58: {  	_ =	swait.ge [sflag:s23], $0x280  }
0x59: {  	[sflag:s23] =	ssyncset.done $0x0  }
0x5a: {  	[sflag:s23] =	ssyncadd.s32 $0xFFFFFD80  }
0x5b: {  	_ =	swait.ge [sflag:s23], $0x2710  }
0x5c: {  	[sflag:s23] =	ssyncset.done $0x0  }
0x5d: {  	[sflag:s23] =	ssyncadd.s32 $0xFFFFD8F0  }
0x5e: {  	[bflag:$0x0] =	sbarrier.arrive $0xFFFF  }
0x5f: {  	[tilespmem:s25], [sflag:$0x3] =	stream.linear.gather [spmem:s9], $0x280, $0x38;
	[tilespmem:$0x8A80] =	vst v63  }
0x60: {  	_ =	swait.ge [sflag:s22], $0x280  }
0x61: {  	[sflag:s22] =	ssyncset.done $0x0  }
0x62: {  	[sflag:s22] =	ssyncadd.s32 $0xFFFFFD80  }
0x63: {  	[hbm4b:s10+s4] =	stream.linear.scatter [tilespmem:s25], [sflag:$0x3], $0x280, $0x38;
	[tilespmem:$0x8A80] =	vst v63  }
0x64: {  	_ =	swait.ge [sflag:s22], $0x280  }
0x65: {  	[sflag:s22] =	ssyncset.done $0x0  }
0x66: {  	[sflag:s22] =	ssyncadd.s32 $0xFFFFFD80  }
0x67: {  	[smem:s26], [sflag:$0x0] =	smem.add.s32 $0x0  }
0x68: {  	_ =	swait.done [sflag:s4]  }
0x69: {  	s29 =	ssyncread [sflag:$0x0]  }
0x6a: {  	s6 =	stileid.u32  }
0x6b: {  	s5 =	sshll.u32 s6, $0x6;
	s12 =	rddreg [dreg:$0x9]  }
0x6c: {  	s7 =	sor.u32 $0x1C02, s5;
	s5 =	sshll.u32 s12, $0xE;
	s6 =	sadd.s32 s11, s29  }
0x6d: {  	[sflag:s4] =	ssyncset.s32 $0x0;
	s0 =	sor.u32 s5, s7;
	s29 =	sshll.u32 s6, $0x11  }
0x6e: {  	[sflag:s4] =	ssyncset.done $0x0;
	s5 =	sor.u32 s29, s0  }
0x6f: {  	[sflag:s5] =	ssyncadd.remote.s32 $0x1  }
0x70: {  	_ =	swait.ge [sflag:s28], $0x1  }
0x71: {  	[sflag:s28] =	ssyncset.done $0x0  }
0x72: {  	[sflag:s28] =	ssyncadd.s32 $0xFFFFFFFF  }
0x73: {  	[tilespmem:s8], [sflag:$0x1] =	stream.linear.gather [hbm4b:s13+s4], $0x280, $0x38;
	[tilespmem:$0x8A80] =	vst v63  }
0x74: {  	_ = 	snop  }
0x75: {  	[spmem:s9] =	stream.linear.scatter [tilespmem:s21], [sflag:$0x3], $0x280, $0x38;
	[tilespmem:$0x8A80] =	vst v63  }
0x76: {  	_ =	swait.ge [sflag:s22], $0x280  }
0x77: {  	[sflag:s22] =	ssyncset.done $0x0  }
0x78: {  	[sflag:s22] =	ssyncadd.s32 $0xFFFFFD80  }
0x79: {  	_ =	swait.ge [sflag:s23], $0x280  }
0x7a: {  	[sflag:s23] =	ssyncset.done $0x0  }
0x7b: {  	s7 =	simm.s32 $0x0;
	[sflag:s23] =	ssyncadd.s32 $0xFFFFFD80  }
0x7c: {  	v1 =	vld [tilespmem:s7+$0x7E10]  }
0x7d: {  	v2 =	vld [tilespmem:s7+$0x80A0]  }
0x7e: {  	v3 =	vld [tilespmem:s7+$0x7E20]  }
0x7f: {  	v4 =	vld [tilespmem:s7+$0x8080]  }
0x80: {  	v6 =	vld [tilespmem:s7+$0x8090]  }
0x81: {  	v5 =	vld [tilespmem:s7+$0x7E00];
	_ =	sdelay $0x2  }
0x82: {  	v7 =	vld [tilespmem:s7+$0x7E30];
	v2 =	vadd.f32 v3, v2  }
0x83: {  	v3 =	vld [tilespmem:s7+$0x80B0];
	v1 =	vadd.f32 v1, v6  }
0x84: {  	v4 =	vadd.f32 v5, v4;
	v2 =	vadd.f32 $1.000000000e+00, v2  }
0x85: {  	v1 =	vadd.f32 $1.000000000e+00, v1  }
0x86: {  	v5 =	vshra.s32 v2, $0x1;
	v8 =	vmul.f32 $5.000000000e-01, v2;
	v2 =	vadd.f32 $1.000000000e+00, v4  }
0x87: {  	v6 =	vshra.s32 v1, $0x1;
	v11 =	vmul.f32 $5.000000000e-01, v1;
	v4 =	vsub.s32 $0x5F3759DF, v5  }
0x88: {  	s5 =	simm.s32 $0x40;
	v3 =	vadd.f32 v7, v3;
	v1 =	vsub.s32 $0x5F3759DF, v6;
	v5 =	vmul.f32 v4, v8  }
0x89: {  	v9 =	vld [tilespmem:s5+$0x8080];
	v10 =	vmul.f32 $5.000000000e-01, v2;
	v2 =	vshra.s32 v2, $0x1;
	v15 =	vmul.f32 v1, v11  }
0x8a: {  	v13 =	vld [tilespmem:s5+$0x7E00];
	v3 =	vadd.f32 $1.000000000e+00, v3;
	v2 =	vsub.s32 $0x5F3759DF, v2;
	v5 =	vmul.f32 v4, v5  }
0x8b: {  	v16 =	vld [tilespmem:s5+$0x80A0];
	v6 =	vmul.f32 v2, v10;
	v15 =	vmul.f32 v1, v15  }
0x8c: {  	v7 =	vld [tilespmem:s5+$0x7E10];
	v14 =	vshra.s32 v3, $0x1;
	v12 =	vmul.f32 $5.000000000e-01, v3;
	v3 =	vsub.f32 $1.500000000e+00, v5  }
0x8d: {  	v5 =	vld [tilespmem:s5+$0x8090];
	v6 =	vmul.f32 v2, v6;
	v14 =	vsub.s32 $0x5F3759DF, v14  }
0x8e: {  	v15 =	vsub.f32 $1.500000000e+00, v15;
	v17 =	vmul.f32 v14, v12;
	v4 =	vmul.f32 v4, v3;
	v3 =	vld [tilespmem:s5+$0x7E20]  }
0x8f: {  	v13 =	vadd.f32 v13, v9  }
0x90: {  	v6 =	vsub.f32 $1.500000000e+00, v6;
	v15 =	vmul.f32 v1, v15;
	v17 =	vmul.f32 v14, v17  }
0x91: {  	v1 =	vadd.f32 $1.000000000e+00, v13;
	v18 =	vmul.f32 v4, v8  }
0x92: {  	v19 =	vld [tilespmem:s5+$0x80B0];
	v2 =	vmul.f32 v2, v6;
	v13 =	vmul.f32 v15, v11;
	v17 =	vsub.f32 $1.500000000e+00, v17  }
0x93: {  	v6 =	vld [tilespmem:s5+$0x7E30];
	v5 =	vadd.f32 v7, v5;
	v18 =	vmul.f32 v18, v4;
	v3 =	vadd.f32 v3, v16  }
0x94: {  	v20 =	vmul.f32 v2, v10;
	v13 =	vmul.f32 v13, v15  }
0x95: {  	v9 =	vmul.f32 v14, v17;
	v5 =	vadd.f32 $1.000000000e+00, v5;
	v3 =	vadd.f32 $1.000000000e+00, v3  }
0x96: {  	v14 =	vmul.f32 $5.000000000e-01, v1;
	v7 =	vmul.f32 v20, v2  }
0x97: {  	v16 =	vshra.s32 v5, $0x1;
	v17 =	vshra.s32 v3, $0x1;
	v20 =	vmul.f32 $5.000000000e-01, v3  }
0x98: {  	s6 =	simm.s32 $0x80;
	v3 =	vadd.f32 v6, v19;
	v6 =	vshra.s32 v1, $0x1;
	v17 =	vsub.s32 $0x5F3759DF, v17  }
0x99: {  	v24 =	vld [tilespmem:s6+$0x8080];
	v1 =	vmul.f32 $5.000000000e-01, v5;
	v5 =	vsub.s32 $0x5F3759DF, v6;
	v6 =	vmul.f32 v17, v20  }
0x9a: {  	v25 =	vld [tilespmem:s6+$0x7E00];
	v13 =	vsub.f32 $1.500000000e+00, v13;
	v3 =	vadd.f32 $1.000000000e+00, v3;
	v19 =	vmul.f32 v5, v14  }
0x9b: {  	v28 =	vmul.f32 v9, v12;
	v16 =	vsub.s32 $0x5F3759DF, v16;
	v6 =	vmul.f32 v17, v6  }
0x9c: {  	v23 =	vshra.s32 v3, $0x1;
	v19 =	vmul.f32 v5, v19;
	v3 =	vmul.f32 $5.000000000e-01, v3  }
0x9d: {  	v22 =	vld [tilespmem:s6+$0x7E10];
	v21 =	vmul.f32 v16, v1;
	v23 =	vsub.s32 $0x5F3759DF, v23;
	v6 =	vsub.f32 $1.500000000e+00, v6  }
0x9e: {  	v27 =	vld [tilespmem:s6+$0x8090];
	v13 =	vmul.f32 v13, v15;
	v26 =	vmul.f32 v23, v3;
	v19 =	vsub.f32 $1.500000000e+00, v19  }
0x9f: {  	v24 =	vadd.f32 v25, v24;
	v21 =	vmul.f32 v16, v21;
	v29 =	vmul.f32 v17, v6  }
0xa0: {  	v6 =	vld [tilespmem:s6+$0x80A0];
	v17 =	vsub.f32 $1.500000000e+00, v7;
	v7 =	vmul.f32 v23, v26;
	v19 =	vmul.f32 v5, v19  }
0xa1: {  	v28 =	vmul.f32 v28, v9;
	v21 =	vsub.f32 $1.500000000e+00, v21;
	v5 =	vld [tilespmem:s6+$0x7E20];
	v26 =	vmul.f32 v29, v20  }
0xa2: {  	v30 =	vld [tilespmem:s6+$0x7E30];
	v35 =	vmul.f32 v13, v11;
	v7 =	vsub.f32 $1.500000000e+00, v7;
	v31 =	vmul.f32 v19, v14  }
0xa3: {  	v25 =	vld [tilespmem:s6+$0x80B0];
	v33 =	vmul.f32 v16, v21;
	v16 =	vadd.f32 v22, v27;
	v26 =	vmul.f32 v26, v29  }
0xa4: {  	v22 =	vadd.f32 $1.000000000e+00, v24;
	v7 =	vmul.f32 v23, v7;
	v21 =	vmul.f32 v31, v19  }
0xa5: {  	v23 =	vmul.f32 v17, v2;
	v2 =	vadd.f32 $1.000000000e+00, v16;
	v16 =	vsub.f32 $1.500000000e+00, v18  }
0xa6: {  	v17 =	vmul.f32 v33, v1;
	v5 =	vadd.f32 v5, v6;
	v6 =	vmul.f32 $5.000000000e-01, v22  }
0xa7: {  	v22 =	vshra.s32 v22, $0x1;
	v10 =	vmul.f32 v23, v10;
	v18 =	vshra.s32 v2, $0x1  }
0xa8: {  	v2 =	vmul.f32 $5.000000000e-01, v2;
	v27 =	vmul.f32 v16, v4;
	v4 =	vadd.f32 v30, v25  }
0xa9: {  	v22 =	vsub.s32 $0x5F3759DF, v22;
	v21 =	vsub.f32 $1.500000000e+00, v21;
	v5 =	vadd.f32 $1.000000000e+00, v5  }
0xaa: {  	v16 =	vsub.s32 $0x5F3759DF, v18;
	v30 =	vmul.f32 v22, v6;
	v8 =	vmul.f32 v27, v8  }
0xab: {  	v4 =	vadd.f32 $1.000000000e+00, v4;
	v25 =	vmul.f32 v16, v2;
	v10 =	vmul.f32 v10, v23  }
0xac: {  	v19 =	vmul.f32 v21, v19;
	v18 =	vshra.s32 v5, $0x1;
	v5 =	vmul.f32 $5.000000000e-01, v5  }
0xad: {  	v15 =	vmul.f32 v22, v30;
	v30 =	vmul.f32 v17, v33;
	v18 =	vsub.s32 $0x5F3759DF, v18  }
0xae: {  	s8 =	simm.s32 $0xC0;
	v38 =	vld [tilespmem:s7+$0x7680];
	v8 =	vmul.f32 v8, v27;
	v24 =	vmul.f32 v18, v5  }
0xaf: {  	v34 =	vld [tilespmem:s8+$0x8080];
	v31 =	vshra.s32 v4, $0x1;
	v25 =	vmul.f32 v16, v25;
	v42 =	vsub.f32 $1.500000000e+00, v10  }
0xb0: {  	v36 =	vld [tilespmem:s8+$0x8090];
	v4 =	vmul.f32 $5.000000000e-01, v4;
	v15 =	vsub.f32 $1.500000000e+00, v15;
	v24 =	vmul.f32 v18, v24  }
0xb1: {  	v59 =	vld [tilespmem:s8+$0x80A0];
	v60 =	vsub.f32 $1.500000000e+00, v30;
	v25 =	vsub.f32 $1.500000000e+00, v25;
	v23 =	vmul.f32 v42, v23  }
0xb2: {  	v30 =	vld [tilespmem:s8+$0x7E20];
	v40 =	vsub.f32 $1.500000000e+00, v8;
	v15 =	vmul.f32 v22, v15;
	v17 =	vsub.f32 $1.500000000e+00, v24  }
0xb3: {  	v8 =	vmul.f32 v16, v25;
	v21 =	vmul.f32 v23, v38;
	v24 =	vsub.s32 $0x5F3759DF, v31;
	v31 =	vld [tilespmem:s8+$0x7E10]  }
0xb4: {  	v32 =	vmul.f32 v24, v4;
	v11 =	vmul.f32 v18, v17;
	v18 =	vld [tilespmem:s8+$0x7E00]  }
0xb5: {  	v28 =	vsub.f32 $1.500000000e+00, v28;
	v27 =	vmul.f32 v40, v27;
	v41 =	vmul.f32 v15, v6  }
0xb6: {  	v43 =	vld [tilespmem:s8+$0x7E30];
	v26 =	vsub.f32 $1.500000000e+00, v26;
	v17 =	vmul.f32 v7, v3;
	v32 =	vmul.f32 v24, v32  }
0xb7: {  	v25 =	vld [tilespmem:s8+$0x80B0];
	v61 =	vmul.f32 v8, v2;
	[tilespmem:s7+$0x7B80] =	vst v23;
	v23 =	vadd.f32 v30, v59;
	v37 =	vmul.f32 v11, v5  }
0xb8: {  	v39 =	vmul.f32 v17, v7;
	v22 =	vsub.f32 $1.500000000e+00, v32;
	v16 =	vadd.f32 v31, v36  }
0xb9: {  	v31 =	vmul.f32 v41, v15;
	v17 =	vmul.f32 v37, v11;
	v18 =	vadd.f32 v18, v34  }
0xba: {  	v37 =	vmul.f32 v35, v13;
	v10 =	vmul.f32 v24, v22;
	v16 =	vadd.f32 $1.000000000e+00, v16  }
0xbb: {  	v22 =	vmul.f32 v28, v9;
	v24 =	vmul.f32 v19, v14;
	v34 =	vadd.f32 $1.000000000e+00, v18  }
0xbc: {  	v14 =	vshra.s32 v16, $0x1;
	v16 =	vmul.f32 $5.000000000e-01, v16;
	v18 =	vmul.f32 v26, v29  }
0xbd: {  	v26 =	vadd.f32 $1.000000000e+00, v23;
	v23 =	vadd.f32 v43, v25;
	v12 =	vmul.f32 v22, v12  }
0xbe: {  	v25 =	vld [tilespmem:s7+$0x76A0];
	v14 =	vsub.s32 $0x5F3759DF, v14;
	v9 =	vmul.f32 $5.000000000e-01, v34;
	v29 =	vmul.f32 v18, v20  }
0xbf: {  	[tilespmem:s7+$0x7900] =	vst v21;
	v30 =	vshra.s32 v34, $0x1;
	v21 =	vshra.s32 v26, $0x1;
	v62 =	vmul.f32 v12, v22  }
0xc0: {  	v20 =	vmul.f32 v14, v16;
	v28 =	vadd.f32 $1.000000000e+00, v23;
	v12 =	vmul.f32 $5.000000000e-01, v26  }
0xc1: {  	v21 =	vsub.s32 $0x5F3759DF, v21;
	v23 =	vsub.s32 $0x5F3759DF, v30;
	v32 =	vmul.f32 v29, v18  }
0xc2: {  	v26 =	vmul.f32 v23, v9;
	v63 =	vmul.f32 v21, v12  }
0xc3: {  	v30 =	vshra.s32 v28, $0x1;
	v29 =	vmul.f32 v60, v33;
	v40 =	vmul.f32 v27, v25  }
0xc4: {  	[tilespmem:s7+$0x7BA0] =	vst v27;
	v35 =	vld [tilespmem:s7+$0x76B0];
	v36 =	vsub.f32 $1.500000000e+00, v62;
	v25 =	vsub.f32 $1.500000000e+00, v31;
	v31 =	vmul.f32 v23, v26  }
0xc5: {  	s12 =	simm.s32 $0x400;
	v34 =	vld [tilespmem:s7+$0x7690];
	v27 =	vsub.f32 $1.500000000e+00, v39;
	v33 =	vmul.f32 v21, v63;
	v26 =	vmul.f32 v61, v8;
	[tilespmem:s7+$0x7920] =	vst v40  }
.LBB2_2:
0xc6: {  	s29 =	sshra.s32 s12, $0x2;
	p2 =	sne.s32 s12, $0x900;
	s12 =	sadd.s32 $0x100, s12;
	v30 =	vsub.s32 $0x5F3759DF, v30;
	v28 =	vmul.f32 $5.000000000e-01, v28;
	v38 =	vld [tilespmem:s5+$0x7680];
	v39 =	vmul.f32 v29, v1;
	v1 =	vmovc v2;
	v2 =	vmovc v16  }
0xc7: {  	v16 =	vmul.f32 v14, v20;
	v40 =	vld [tilespmem:s29+$0x7E30];
	v20 =	vsub.f32 $1.500000000e+00, v33;
	v33 =	vsub.f32 $1.500000000e+00, v37  }
0xc8: {  	v42 =	vsub.f32 $1.500000000e+00, v17;
	v17 =	vmul.f32 v10, v4;
	v37 =	vld [tilespmem:s29+$0x7E10];
	v41 =	vmul.f32 v30, v28  }
0xc9: {  	v16 =	vsub.f32 $1.500000000e+00, v16;
	v43 =	vld [tilespmem:s29+$0x8080];
	v20 =	vmul.f32 v21, v20;
	v21 =	vmul.f32 v24, v19  }
0xca: {  	v31 =	vsub.f32 $1.500000000e+00, v31;
	v22 =	vmul.f32 v36, v22;
	v24 =	vld [tilespmem:s29+$0x7E00];
	v41 =	vmul.f32 v30, v41  }
0xcb: {  	v32 =	vsub.f32 $1.500000000e+00, v32;
	v45 =	vmul.f32 v17, v10;
	v36 =	vld [tilespmem:s29+$0x8090];
	v44 =	vmul.f32 v20, v12  }
0xcc: {  	v23 =	vmul.f32 v23, v31;
	v33 =	vmul.f32 v33, v13;
	v13 =	vmovc v29;
	v46 =	vld [tilespmem:s29+$0x80B0];
	v31 =	vsub.f32 $1.500000000e+00, v41;
	[tilespmem:s7+$0x7BB0] =	vst v22  }
0xcd: {  	v26 =	vsub.f32 $1.500000000e+00, v26;
	v22 =	vmul.f32 v22, v35;
	v29 =	vld [tilespmem:s29+$0x80A0];
	v17 =	vmul.f32 v44, v20  }
0xce: {  	v21 =	vsub.f32 $1.500000000e+00, v21;
	v41 =	vmul.f32 v23, v9;
	v35 =	vld [tilespmem:s29+$0x7E20];
	[tilespmem:s7+$0x7B90] =	vst v33;
	v33 =	vmul.f32 v33, v34  }
0xcf: {  	v34 =	vmul.f32 v14, v16;
	v14 =	vmul.f32 v30, v31;
	v24 =	vadd.f32 v24, v43;
	[tilespmem:s7+$0x7930] =	vst v22  }
0xd0: {  	v21 =	vmul.f32 v21, v19;
	v31 =	vmul.f32 v41, v23;
	v16 =	vadd.f32 v37, v36;
	[tilespmem:s7+$0x7910] =	vst v33;
	s7 =	smov.u32 s5;
	s5 =	smov.u32 s6;
	s6 =	smov.u32 s8  }
0xd1: {  	v19 =	vmul.f32 v25, v15;
	v15 =	vmovc v23;
	v36 =	vmul.f32 v34, v2;
	s8 =	smov.u32 s29;
	v30 =	vadd.f32 $1.000000000e+00, v24  }
0xd2: {  	v22 =	vmul.f32 v27, v7;
	v7 =	vmovc v10;
	v16 =	vadd.f32 $1.000000000e+00, v16;
	[tilespmem:s7+$0x7B80] =	vst v21;
	v21 =	vmul.f32 v21, v38  }
0xd3: {  	v10 =	vmovc v14;
	v24 =	vmul.f32 v19, v6;
	v6 =	vmovc v9;
	v23 =	vadd.f32 v35, v29;
	v9 =	vmul.f32 $5.000000000e-01, v30  }
0xd4: {  	v25 =	vmul.f32 v42, v11;
	v11 =	vmovc v20;
	v14 =	vshra.s32 v16, $0x1;
	v16 =	vmul.f32 $5.000000000e-01, v16;
	[tilespmem:s7+$0x7900] =	vst v21  }
0xd5: {  	v20 =	vmul.f32 v22, v3;
	v3 =	vmovc v4;
	v4 =	vmovc v28;
	v27 =	vadd.f32 $1.000000000e+00, v23;
	v23 =	vadd.f32 v40, v46;
	v29 =	vld [tilespmem:s7+$0x76A0]  }
0xd6: {  	v33 =	vmul.f32 v25, v5;
	v5 =	vmovc v12;
	v35 =	vmul.f32 v32, v18;
	v18 =	vmovc v25;
	v14 =	vsub.s32 $0x5F3759DF, v14  }
0xd7: {  	v12 =	vshra.s32 v30, $0x1;
	v38 =	vmul.f32 v20, v22;
	v21 =	vshra.s32 v27, $0x1  }
0xd8: {  	v20 =	vmul.f32 v14, v16;
	v28 =	vadd.f32 $1.000000000e+00, v23;
	v21 =	vsub.s32 $0x5F3759DF, v21;
	[tilespmem:s7+$0x7BA0] =	vst v35  }
.Ltmp0:
0xd9: {  	v32 =	vmul.f32 v33, v18;
	v23 =	vsub.s32 $0x5F3759DF, v12;
	v12 =	vmul.f32 $5.000000000e-01, v27;
	(pc) =	sbr.rel @p2 .LBB2_2-.Ltmp0, $4  }
0xda: {  	v27 =	vmul.f32 v23, v9;
	v30 =	vshra.s32 v28, $0x1;
	v33 =	vmul.f32 v35, v29  }
0xdb: {  	v25 =	vsub.f32 $1.500000000e+00, v31;
	v35 =	vmul.f32 v21, v12;
	v29 =	vmul.f32 v26, v8;
	v8 =	vmovc v34  }
0xdc: {  	v37 =	vmul.f32 v39, v13;
	v31 =	vmul.f32 v23, v27;
	v27 =	vsub.f32 $1.500000000e+00, v45;
	v34 =	vld [tilespmem:s7+$0x7690];
	[tilespmem:s7+$0x7920] =	vst v33  }
0xdd: {  	v26 =	vmul.f32 v36, v8;
	v36 =	vsub.f32 $1.500000000e+00, v38;
	v33 =	vmul.f32 v21, v35;
	v35 =	vld [tilespmem:s7+$0x76B0]  }
0xde: {  	_ = 	snop  }
0xdf: {  	v37 =	vsub.f32 $1.500000000e+00, v37  }
0xe0: {  	v22 =	vmul.f32 v36, v22  }
0xe1: {  	v13 =	vmul.f32 v37, v13  }
0xe2: {  	v38 =	vld [tilespmem:s5+$0x7680];
	[tilespmem:s7+$0x7BB0] =	vst v22;
	v22 =	vmul.f32 v22, v35  }
0xe3: {  	[tilespmem:s7+$0x7B90] =	vst v13;
	v13 =	vmul.f32 v13, v34  }
0xe4: {  	v24 =	vmul.f32 v24, v19;
	[tilespmem:s7+$0x7930] =	vst v22  }
0xe5: {  	v7 =	vmul.f32 v27, v7;
	[tilespmem:s7+$0x7910] =	vst v13  }
0xe6: {  	v24 =	vsub.f32 $1.500000000e+00, v24;
	v50 =	vld [tilespmem:s5+$0x76A0]  }
0xe7: {  	v51 =	vsub.f32 $1.500000000e+00, v32;
	v1 =	vmul.f32 v29, v1;
	v3 =	vmul.f32 v7, v3  }
0xe8: {  	v15 =	vmul.f32 v25, v15;
	v48 =	vmul.f32 v24, v19  }
0xe9: {  	v18 =	vmul.f32 v51, v18;
	v3 =	vmul.f32 v3, v7  }
0xea: {  	v59 =	vsub.f32 $1.500000000e+00, v26;
	v1 =	vmul.f32 v1, v29;
	v49 =	vmul.f32 v48, v38;
	[tilespmem:s5+$0x7B80] =	vst v48;
	v53 =	vld [tilespmem:s5+$0x76B0]  }
0xeb: {  	v6 =	vmul.f32 v15, v6;
	v3 =	vsub.f32 $1.500000000e+00, v3;
	[tilespmem:s5+$0x7BA0] =	vst v18;
	v52 =	vld [tilespmem:s5+$0x7690];
	v13 =	vmul.f32 v18, v50  }
0xec: {  	v8 =	vmul.f32 v59, v8;
	v1 =	vsub.f32 $1.500000000e+00, v1;
	[tilespmem:s5+$0x7900] =	vst v49  }
0xed: {  	v6 =	vmul.f32 v6, v15;
	v3 =	vmul.f32 v3, v7;
	[tilespmem:s5+$0x7920] =	vst v13  }
0xee: {  	v17 =	vsub.f32 $1.500000000e+00, v17;
	v1 =	vmul.f32 v1, v29;
	v54 =	vld [tilespmem:s6+$0x7680]  }
0xef: {  	v2 =	vmul.f32 v8, v2;
	v6 =	vsub.f32 $1.500000000e+00, v6;
	[tilespmem:s5+$0x7BB0] =	vst v3;
	v3 =	vmul.f32 v3, v53  }
0xf0: {  	v55 =	vsub.f32 $1.500000000e+00, v31;
	v7 =	vmul.f32 v17, v11;
	[tilespmem:s5+$0x7B90] =	vst v1;
	v1 =	vmul.f32 v1, v52  }
0xf1: {  	v6 =	vmul.f32 v6, v15;
	v11 =	vmul.f32 v10, v4;
	[tilespmem:s5+$0x7930] =	vst v3  }
0xf2: {  	v13 =	vmul.f32 v23, v55;
	v3 =	vmul.f32 v7, v5;
	[tilespmem:s5+$0x7910] =	vst v1  }
0xf3: {  	[tilespmem:s6+$0x7B80] =	vst v6;
	v1 =	vmul.f32 v6, v54;
	v6 =	vmul.f32 v11, v10  }
0xf4: {  	v56 =	vmul.f32 v13, v9;
	v3 =	vmul.f32 v3, v7  }
0xf5: {  	v2 =	vmul.f32 v2, v8;
	v57 =	vld [tilespmem:s6+$0x76A0];
	v6 =	vsub.f32 $1.500000000e+00, v6  }
0xf6: {  	v15 =	vmul.f32 v56, v13;
	v11 =	vsub.f32 $1.500000000e+00, v33;
	v3 =	vsub.f32 $1.500000000e+00, v3  }
0xf7: {  	v5 =	vmul.f32 $5.000000000e-01, v28;
	[tilespmem:s6+$0x7900] =	vst v1;
	v1 =	vsub.s32 $0x5F3759DF, v30;
	v6 =	vmul.f32 v6, v10  }
0xf8: {  	v11 =	vmul.f32 v21, v11;
	v3 =	vmul.f32 v3, v7;
	v10 =	vsub.f32 $1.500000000e+00, v15  }
0xf9: {  	v58 =	vmul.f32 v1, v5;
	v4 =	vmul.f32 v6, v4  }
0xfa: {  	v60 =	vld [tilespmem:s6+$0x7690];
	[tilespmem:s6+$0x7BA0] =	vst v3;
	v3 =	vmul.f32 v3, v57;
	v10 =	vmul.f32 v10, v13  }
0xfb: {  	v2 =	vsub.f32 $1.500000000e+00, v2;
	v61 =	vmul.f32 v11, v12;
	v4 =	vmul.f32 v4, v6  }
0xfc: {  	v7 =	vmul.f32 v1, v58;
	[tilespmem:s6+$0x7920] =	vst v3;
	v3 =	vmul.f32 v10, v9;
	v9 =	vld [tilespmem:s6+$0x76B0]  }
0xfd: {  	v2 =	vmul.f32 v2, v8;
	v15 =	vmul.f32 v61, v11;
	v4 =	vsub.f32 $1.500000000e+00, v4  }
0xfe: {  	v62 =	vmul.f32 v14, v20;
	v7 =	vsub.f32 $1.500000000e+00, v7;
	v3 =	vmul.f32 v3, v10  }
0xff: {  	v15 =	vsub.f32 $1.500000000e+00, v15;
	v63 =	vld [tilespmem:s8+$0x7680];
	[tilespmem:s6+$0x7B90] =	vst v2;
	v2 =	vmul.f32 v2, v60;
	v4 =	vmul.f32 v4, v6  }
0x100: {  	v1 =	vmul.f32 v1, v7;
	v3 =	vsub.f32 $1.500000000e+00, v3;
	v6 =	vsub.f32 $1.500000000e+00, v62  }
0x101: {  	v7 =	vmul.f32 v15, v11;
	[tilespmem:s6+$0x7BB0] =	vst v4;
	v4 =	vmul.f32 v4, v9  }
0x102: {  	v3 =	vmul.f32 v3, v10;
	v6 =	vmul.f32 v14, v6  }
0x103: {  	v8 =	vmul.f32 v1, v5;
	[tilespmem:s6+$0x7930] =	vst v4;
	v4 =	vmul.f32 v7, v12  }
0x104: {  	[tilespmem:s6+$0x7910] =	vst v2;
	v2 =	vmul.f32 v3, v63;
	v9 =	vmul.f32 v6, v16  }
0x105: {  	[tilespmem:s8+$0x7B80] =	vst v3;
	v3 =	vmul.f32 v8, v1  }
0x106: {  	v4 =	vmul.f32 v4, v7;
	[tilespmem:s8+$0x7900] =	vst v2;
	v2 =	vmul.f32 v9, v6  }
0x107: {  	v8 =	vld [tilespmem:s8+$0x76A0];
	v3 =	vsub.f32 $1.500000000e+00, v3  }
0x108: {  	v4 =	vsub.f32 $1.500000000e+00, v4;
	v2 =	vsub.f32 $1.500000000e+00, v2  }
0x109: {  	v1 =	vmul.f32 v3, v1  }
0x10a: {  	v3 =	vmul.f32 v4, v7;
	v2 =	vmul.f32 v2, v6  }
0x10b: {  	v4 =	vmul.f32 v1, v5  }
0x10c: {  	[tilespmem:s8+$0x7BA0] =	vst v3;
	v3 =	vmul.f32 v3, v8;
	v5 =	vmul.f32 v2, v16  }
0x10d: {  	v4 =	vmul.f32 v4, v1  }
0x10e: {  	[tilespmem:s8+$0x7920] =	vst v3;
	v3 =	vmul.f32 v5, v2;
	v5 =	vld [tilespmem:s8+$0x76B0]  }
0x10f: {  	v6 =	vld [tilespmem:s8+$0x7690];
	v4 =	vsub.f32 $1.500000000e+00, v4  }
0x110: {  	v3 =	vsub.f32 $1.500000000e+00, v3  }
0x111: {  	v1 =	vmul.f32 v4, v1  }
0x112: {  	v2 =	vmul.f32 v3, v2  }
0x113: {  	[tilespmem:s8+$0x7BB0] =	vst v1;
	v1 =	vmul.f32 v1, v5  }
0x114: {  	[tilespmem:s8+$0x7B90] =	vst v2;
	v2 =	vmul.f32 v2, v6  }
0x115: {  	[tilespmem:s8+$0x7930] =	vst v1  }
0x116: {  	[tilespmem:s8+$0x7910] =	vst v2  }
0x117: {  	[spmem:s14] =	stream.linear.scatter [tilespmem:s30], [sflag:$0x3], $0x280, $0x38;
	[tilespmem:$0x8A80] =	vst v63  }
0x118: {  	_ =	swait.ge [sflag:s22], $0x280  }
0x119: {  	[sflag:s22] =	ssyncset.done $0x0  }
0x11a: {  	[sflag:s22] =	ssyncadd.s32 $0xFFFFFD80  }
0x11b: {  	s12 =	simm.s32 $0x0;
	[bflag:$0x0] =	sbarrier.arrive $0xFFFF  }
0x11c: {  	[tilespmem:s19], [sflag:$0x1] =	stream.indirect.gather [spmem:s3], $0x1, s12, s31, $0xb8;
	[tilespmem:$0x8A80] =	vst v63  }
0x11d: {  	_ = 	snop  }
0x11e: {  	[tilespmem:s1], [sflag:$0x1] =	stream.indirect.gather [spmem:s3], $0x1, s31, s31, $0xb8;
	[tilespmem:$0x8A80] =	vst v63  }
0x11f: {  	_ =	swait.ge [sflag:s23], $0x1388  }
0x120: {  	[sflag:s23] =	ssyncset.done $0x0  }
0x121: {  	[sflag:s23] =	ssyncadd.s32 $0xFFFFEC78  }
0x122: {  	[spmem:s2] =	stream.indirect.scatter.add.f32 [tilespmem:s19], [sflag:$0x1], $0x1, s18, s31, $0xb8;
	[tilespmem:$0x8A80] =	vst v63  }
0x123: {  	_ =	swait.ge [sflag:s23], $0x1388  }
0x124: {  	[sflag:s23] =	ssyncset.done $0x0  }
0x125: {  	[sflag:s23] =	ssyncadd.s32 $0xFFFFEC78  }
0x126: {  	[spmem:s2] =	stream.indirect.scatter.add.f32 [tilespmem:s1], [sflag:$0x1], $0x1, s20, s31, $0xb8;
	[tilespmem:$0x8A80] =	vst v63  }
0x127: {  	_ =	swait.ge [sflag:s23], $0x1388  }
0x128: {  	[sflag:s23] =	ssyncset.done $0x0  }
0x129: {  	[sflag:s23] =	ssyncadd.s32 $0xFFFFEC78  }
0x12a: {  	_ =	swait.ge [sflag:s23], $0x1388  }
0x12b: {  	[sflag:s23] =	ssyncset.done $0x0  }
0x12c: {  	[sflag:s23] =	ssyncadd.s32 $0xFFFFEC78  }
0x12d: {  	[bflag:$0x0] =	sbarrier.arrive $0xFFFF  }
0x12e: {  	[tilespmem:s25], [sflag:$0x3] =	stream.linear.gather [spmem:s9], $0x280, $0x38;
	[tilespmem:$0x8A80] =	vst v63  }
0x12f: {  	_ =	swait.ge [sflag:s22], $0x280  }
0x130: {  	[sflag:s22] =	ssyncset.done $0x0  }
0x131: {  	[sflag:s22] =	ssyncadd.s32 $0xFFFFFD80  }
0x132: {  	[hbm4b:s10+s12] =	stream.linear.scatter [tilespmem:s25], [sflag:$0x3], $0x280, $0x38;
	[tilespmem:$0x8A80] =	vst v63  }
0x133: {  	_ =	swait.ge [sflag:s22], $0x280  }
0x134: {  	[sflag:s22] =	ssyncset.done $0x0  }
0x135: {  	[sflag:s22] =	ssyncadd.s32 $0xFFFFFD80  }
0x136: {  	[smem:s26], [sflag:$0x0] =	smem.add.s32 $0x0  }
0x137: {  	_ =	swait.done [sflag:s12]  }
0x138: {  	s29 =	ssyncread [sflag:$0x0];
	_ =	sdelay $0x2  }
0x139: {  	s6 =	sadd.s32 s11, s29  }
0x13a: {  	[sflag:s12] =	ssyncset.s32 $0x0;
	s6 =	sshll.u32 s6, $0x11  }
0x13b: {  	[sflag:s12] =	ssyncset.done $0x0;
	s6 =	sor.u32 s6, s0  }
0x13c: {  	[sflag:s6] =	ssyncadd.remote.s32 $0x1  }
0x13d: {  	_ =	swait.ge [sflag:s28], $0x1  }
0x13e: {  	[sflag:s28] =	ssyncset.done $0x0  }
0x13f: {  	s8 =	simm.s32 $0x7E00;
	[sflag:s28] =	ssyncadd.s32 $0xFFFFFFFF  }
0x140: {  	[tilespmem:s8], [sflag:$0x1] =	stream.linear.gather [hbm4b:s13+s12], $0x280, $0x38;
	[tilespmem:$0x8A80] =	vst v63  }
0x141: {  	_ = 	snop  }
0x142: {  	[spmem:s9] =	stream.linear.scatter [tilespmem:s21], [sflag:$0x3], $0x280, $0x38;
	[tilespmem:$0x8A80] =	vst v63  }
0x143: {  	_ =	swait.ge [sflag:s22], $0x280  }
0x144: {  	[sflag:s22] =	ssyncset.done $0x0  }
0x145: {  	[sflag:s22] =	ssyncadd.s32 $0xFFFFFD80  }
0x146: {  	_ =	swait.ge [sflag:s23], $0x280  }
0x147: {  	[sflag:s23] =	ssyncset.done $0x0  }
0x148: {  	s5 =	simm.s32 $0x0;
	[sflag:s23] =	ssyncadd.s32 $0xFFFFFD80  }
0x149: {  	v2 =	vld [tilespmem:s5+$0x7B80]  }
0x14a: {  	v1 =	vld [tilespmem:s5+$0x7B90]  }
0x14b: {  	v3 =	vld [tilespmem:s5+$0x8080]  }
0x14c: {  	v4 =	vld [tilespmem:s5+$0x7E00]  }
0x14d: {  	v5 =	vld [tilespmem:s5+$0x8090]  }
0x14e: {  	v7 =	vld [tilespmem:s5+$0x7E10]  }
0x14f: {  	v6 =	vld [tilespmem:s5+$0x80A0]  }
0x150: {  	v9 =	vld [tilespmem:s5+$0x7E20]  }
0x151: {  	v8 =	vld [tilespmem:s5+$0x80B0]  }
0x152: {  	v10 =	vld [tilespmem:s5+$0x7E30]  }
0x153: {  	s6 =	simm.s32 $0x100;
	v11 =	vld [tilespmem:s5+$0x7900]  }
.LBB2_4:
0x154: {  	p2 =	sne.s32 s6, $0x900;
	v12 =	vld [tilespmem:s5+$0x7910]  }
0x155: {  	v13 =	vld [tilespmem:s5+$0x7920]  }
0x156: {  	v3 =	vadd.f32 v4, v3;
	v4 =	vld [tilespmem:s5+$0x7930]  }
0x157: {  	v5 =	vadd.f32 v7, v5;
	v7 =	vld [tilespmem:s5+$0x7BA0]  }
0x158: {  	v6 =	vadd.f32 v9, v6;
	v3 =	vadd.f32 v11, v3;
	v9 =	vld [tilespmem:s5+$0x7BB0]  }
0x159: {  	s7 =	sshra.s32 s6, $0x2;
	v8 =	vadd.f32 v10, v8;
	v5 =	vadd.f32 v12, v5;
	v10 =	vld [tilespmem:s5+$0x7BB0]  }
0x15a: {  	v11 =	vld [tilespmem:s7+$0x7B80];
	v12 =	vmul.f32 v3, v2;
	v6 =	vadd.f32 v13, v6  }
0x15b: {  	v13 =	vld [tilespmem:s7+$0x7B90];
	v5 =	vmul.f32 v5, v1;
	v8 =	vadd.f32 v4, v8  }
0x15c: {  	v3 =	vld [tilespmem:s7+$0x8080];
	[tilespmem:s5+$0x7680] =	vst v12;
	v15 =	vmul.f32 v12, v2;
	v12 =	vmul.f32 v6, v7  }
0x15d: {  	v4 =	vld [tilespmem:s7+$0x7E00];
	[tilespmem:s5+$0x7690] =	vst v5;
	v16 =	vmul.f32 v5, v1;
	v14 =	vmul.f32 v8, v9  }
0x15e: {  	v5 =	vld [tilespmem:s7+$0x8090];
	[tilespmem:s5+$0x7900] =	vst v15;
	v8 =	vmul.f32 v12, v7  }
0x15f: {  	v7 =	vld [tilespmem:s7+$0x7E10];
	[tilespmem:s5+$0x7910] =	vst v16;
	v10 =	vmul.f32 v14, v10;
	v2 =	vmov v11  }
.Ltmp1:
0x160: {  	v6 =	vld [tilespmem:s7+$0x80A0];
	[tilespmem:s5+$0x7920] =	vst v8;
	v1 =	vmov v13;
	(pc) =	sbr.rel @p2 .LBB2_4-.Ltmp1, $4  }
0x161: {  	v9 =	vld [tilespmem:s7+$0x7E20];
	[tilespmem:s5+$0x7930] =	vst v10  }
0x162: {  	v8 =	vld [tilespmem:s7+$0x80B0];
	[tilespmem:s5+$0x76A0] =	vst v12  }
0x163: {  	v10 =	vld [tilespmem:s7+$0x7E30];
	[tilespmem:s5+$0x76B0] =	vst v14;
	s5 =	smov.u32 s7  }
0x164: {  	s6 =	sadd.s32 $0x100, s6;
	v11 =	vld [tilespmem:s5+$0x7900]  }
0x165: {  	v12 =	vld [tilespmem:s5+$0x7910]  }
0x166: {  	v3 =	vadd.f32 v4, v3;
	v4 =	vld [tilespmem:s5+$0x7930]  }
0x167: {  	v13 =	vld [tilespmem:s5+$0x7920]  }
0x168: {  	v5 =	vadd.f32 v7, v5;
	v6 =	vadd.f32 v9, v6;
	v9 =	vld [tilespmem:s5+$0x7BB0]  }
0x169: {  	v8 =	vadd.f32 v10, v8;
	v3 =	vadd.f32 v11, v3  }
0x16a: {  	v7 =	vld [tilespmem:s5+$0x7BA0];
	v5 =	vadd.f32 v12, v5  }
0x16b: {  	v4 =	vadd.f32 v4, v8;
	v3 =	vmul.f32 v3, v2  }
0x16c: {  	v5 =	vmul.f32 v5, v1  }
0x16d: {  	v10 =	vld [tilespmem:s5+$0x7BB0];
	v6 =	vadd.f32 v13, v6;
	v4 =	vmul.f32 v4, v9;
	[tilespmem:s5+$0x7680] =	vst v3  }
0x16e: {  	v2 =	vmul.f32 v3, v2;
	[tilespmem:s5+$0x7690] =	vst v5  }
0x16f: {  	v3 =	vmul.f32 v6, v7;
	[tilespmem:s5+$0x76B0] =	vst v4  }
0x170: {  	v1 =	vmul.f32 v5, v1;
	[tilespmem:s5+$0x7900] =	vst v2  }
0x171: {  	v2 =	vmul.f32 v3, v7;
	[tilespmem:s5+$0x76A0] =	vst v3  }
0x172: {  	[tilespmem:s5+$0x7910] =	vst v1;
	v1 =	vmul.f32 v4, v10  }
0x173: {  	[tilespmem:s5+$0x7920] =	vst v2  }
0x174: {  	[tilespmem:s5+$0x7930] =	vst v1  }
0x175: {  	[spmem:s14] =	stream.linear.scatter [tilespmem:s30], [sflag:$0x3], $0x280, $0x38;
	[tilespmem:$0x8A80] =	vst v63  }
0x176: {  	_ =	swait.ge [sflag:s22], $0x280  }
0x177: {  	[sflag:s22] =	ssyncset.done $0x0  }
0x178: {  	[sflag:s22] =	ssyncadd.s32 $0xFFFFFD80  }
0x179: {  	[bflag:$0x0] =	sbarrier.arrive $0xFFFF  }
0x17a: {  	[tilespmem:s19], [sflag:$0x1] =	stream.indirect.gather [spmem:s3], $0x1, s4, s31, $0xb8;
	[tilespmem:$0x8A80] =	vst v63  }
0x17b: {  	_ = 	snop  }
0x17c: {  	[tilespmem:s1], [sflag:$0x1] =	stream.indirect.gather [spmem:s3], $0x1, s31, s31, $0xb8;
	[tilespmem:$0x8A80] =	vst v63  }
0x17d: {  	_ =	swait.ge [sflag:s23], $0x1388  }
0x17e: {  	[sflag:s23] =	ssyncset.done $0x0  }
0x17f: {  	[sflag:s23] =	ssyncadd.s32 $0xFFFFEC78  }
0x180: {  	[spmem:s2] =	stream.indirect.scatter.add.f32 [tilespmem:s19], [sflag:$0x1], $0x1, s18, s31, $0xb8;
	[tilespmem:$0x8A80] =	vst v63  }
0x181: {  	_ =	swait.ge [sflag:s23], $0x1388  }
0x182: {  	[sflag:s23] =	ssyncset.done $0x0  }
0x183: {  	[sflag:s23] =	ssyncadd.s32 $0xFFFFEC78  }
0x184: {  	[spmem:s2] =	stream.indirect.scatter.add.f32 [tilespmem:s1], [sflag:$0x1], $0x1, s20, s31, $0xb8;
	[tilespmem:$0x8A80] =	vst v63  }
0x185: {  	_ =	swait.ge [sflag:s23], $0x1388  }
0x186: {  	[sflag:s23] =	ssyncset.done $0x0  }
0x187: {  	[sflag:s23] =	ssyncadd.s32 $0xFFFFEC78  }
0x188: {  	_ =	swait.ge [sflag:s23], $0x1388  }
0x189: {  	[sflag:s23] =	ssyncset.done $0x0  }
0x18a: {  	[sflag:s23] =	ssyncadd.s32 $0xFFFFEC78  }
0x18b: {  	s6 =	simm.s32 @!p0 $0x3;
	s5 =	simm.s32 @!p0 $0x8080;
	[bflag:$0x0] =	sbarrier.arrive $0xFFFF  }
0x18c: {  	[tilespmem:s5], [sflag:$0x3] =	stream.linear.gather @!p0 [spmem:s9], $0x280, $0x38;
	[tilespmem:$0x8A80] =	vst v63  }
0x18d: {  	_ =	swait.ge @!p0 [sflag:s6], $0x280  }
0x18e: {  	[sflag:s6] =	ssyncset.done @!p0 $0x0  }
0x18f: {  	s7 =	simm.s32 @!p0 $0x0;
	[sflag:s6] =	ssyncadd.s32 @!p0 $0xFFFFFD80  }
0x190: {  	[hbm4b:s15+s7] =	stream.linear.scatter @!p0 [tilespmem:s5], [sflag:$0x3], $0x280, $0x38;
	[tilespmem:$0x8A80] =	vst v63  }
0x191: {  	_ =	swait.ge @!p0 [sflag:s6], $0x280  }
0x192: {  	[sflag:s6] =	ssyncset.done @!p0 $0x0  }
0x193: {  	[sflag:s6] =	ssyncadd.s32 @!p0 $0xFFFFFD80  }
0x194: {  	[smem:s26], [sflag:$0x0] =	smem.add.s32 $0x0  }
0x195: {  	_ =	swait.done [sflag:s4]  }
0x196: {  	s29 =	ssyncread [sflag:$0x0];
	_ =	sdelay $0x2  }
0x197: {  	s5 =	sadd.s32 s11, s29  }
0x198: {  	[sflag:s4] =	ssyncset.s32 $0x0;
	s5 =	sshll.u32 s5, $0x11  }
0x199: {  	[sflag:s4] =	ssyncset.done $0x0;
	s0 =	sor.u32 s5, s0  }
0x19a: {  	[sflag:s0] =	ssyncadd.remote.s32 $0x1  }
0x19b: {  	_ =	swait.ge [sflag:s28], $0x1  }
0x19c: {  	[sflag:s28] =	ssyncset.done $0x0  }
0x19d: {  	s5 =	simm.s32 @!p1 $0x7E00;
	s0 =	simm.s32 @!p1 $0x0;
	[sflag:s28] =	ssyncadd.s32 $0xFFFFFFFF  }
0x19e: {  	[tilespmem:s5], [sflag:$0x1] =	stream.linear.gather @!p1 [hbm4b:s15+s0], $0x280, $0x38;
	[tilespmem:$0x8A80] =	vst v63  }
0x19f: {  	s0 =	simm.s32 @!p1 $0x8080  }
0x1a0: {  	[tilespmem:s0], [sflag:$0x3] =	stream.linear.gather @!p1 [spmem:s9], $0x280, $0x38;
	[tilespmem:$0x8A80] =	vst v63  }
0x1a1: {  	s0 =	simm.s32 @!p1 $0x3  }
0x1a2: {  	_ =	swait.ge @!p1 [sflag:s0], $0x280  }
0x1a3: {  	[sflag:s0] =	ssyncset.done @!p1 $0x0  }
0x1a4: {  	[sflag:s0] =	ssyncadd.s32 @!p1 $0xFFFFFD80;
	s0 =	simm.s32 @!p1 $0x1  }
0x1a5: {  	_ =	swait.ge @!p1 [sflag:s0], $0x280  }
0x1a6: {  	[sflag:s0] =	ssyncset.done @!p1 $0x0  }
0x1a7: {  	[sflag:s0] =	ssyncadd.s32 @!p1 $0xFFFFFD80;
	s0 =	simm.s32 $0x0  }
0x1a8: {  	v1 =	vld [tilespmem:s0+$0x80B0]  }
0x1a9: {  	v2 =	vld [tilespmem:s0+$0x7E30]  }
0x1aa: {  	v3 =	vld [tilespmem:s0+$0x8080]  }
0x1ab: {  	v4 =	vld [tilespmem:s0+$0x7930]  }
0x1ac: {  	v6 =	vld [tilespmem:s0+$0x7E00]  }
0x1ad: {  	v5 =	vld [tilespmem:s0+$0x7BB0]  }
0x1ae: {  	v7 =	vld [tilespmem:s0+$0x8090]  }
0x1af: {  	v8 =	vld [tilespmem:s0+$0x7E10]  }
0x1b0: {  	v9 =	vld [tilespmem:s0+$0x80A0];
	v1 =	vadd.f32 v2, v1  }
0x1b1: {  	v10 =	vld [tilespmem:s0+$0x7900]  }
0x1b2: {  	v1 =	vadd.f32 v4, v1;
	v4 =	vld [tilespmem:s0+$0x7E20]  }
0x1b3: {  	v11 =	vld [tilespmem:s0+$0x7910]  }
0x1b4: {  	v2 =	vld [tilespmem:s0+$0x7920];
	v1 =	vmul.f32 v1, v5  }
0x1b5: {  	v5 =	vld [tilespmem:s0+$0x7B80]  }
0x1b6: {  	v8 =	vadd.f32 v8, v7;
	[tilespmem:s0+$0x76B0] =	vst v1;
	v1 =	vadd.f32 v6, v3;
	v3 =	vld [tilespmem:s0+$0x7B90]  }
0x1b7: {  	s5 =	simm.s32 $0x40;
	v6 =	vadd.f32 v4, v9;
	v4 =	vld [tilespmem:s0+$0x7BA0]  }
0x1b8: {  	s6 =	simm.s32 $0x200;
	v8 =	vadd.f32 v11, v8;
	v7 =	vadd.f32 v10, v1;
	v1 =	vld [tilespmem:s5+$0x80B0]  }
.LBB2_6:
0x1b9: {  	p2 =	sne.s32 s6, $0x900;
	v9 =	vld [tilespmem:s5+$0x7E30];
	v2 =	vadd.f32 v2, v6  }
0x1ba: {  	v6 =	vld [tilespmem:s5+$0x8080];
	v5 =	vmul.f32 v7, v5  }
0x1bb: {  	v7 =	vld [tilespmem:s5+$0x7930];
	v3 =	vmul.f32 v8, v3  }
0x1bc: {  	v8 =	vld [tilespmem:s5+$0x7E00];
	[tilespmem:s0+$0x7680] =	vst v5;
	v2 =	vmul.f32 v2, v4  }
0x1bd: {  	v4 =	vld [tilespmem:s5+$0x7BB0];
	[tilespmem:s0+$0x7690] =	vst v3  }
0x1be: {  	v3 =	vld [tilespmem:s5+$0x8090];
	v1 =	vadd.f32 v9, v1;
	[tilespmem:s0+$0x76A0] =	vst v2;
	s0 =	smov.u32 s5  }
0x1bf: {  	v2 =	vld [tilespmem:s0+$0x7E10]  }
0x1c0: {  	v9 =	vld [tilespmem:s0+$0x80A0];
	v1 =	vadd.f32 v7, v1  }
0x1c1: {  	v7 =	vadd.f32 v8, v6;
	v6 =	vld [tilespmem:s0+$0x7E20]  }
0x1c2: {  	v8 =	vld [tilespmem:s0+$0x7900];
	v1 =	vmul.f32 v1, v4  }
0x1c3: {  	v10 =	vld [tilespmem:s0+$0x7910]  }
.Ltmp2:
0x1c4: {  	v11 =	vadd.f32 v2, v3;
	v2 =	vld [tilespmem:s0+$0x7920];
	[tilespmem:s0+$0x76B0] =	vst v1;
	(pc) =	sbr.rel @p2 .LBB2_6-.Ltmp2, $4  }
0x1c5: {  	v5 =	vld [tilespmem:s0+$0x7B80]  }
0x1c6: {  	v3 =	vld [tilespmem:s0+$0x7B90];
	v6 =	vadd.f32 v6, v9  }
0x1c7: {  	s5 =	sshra.s32 s6, $0x2;
	v7 =	vadd.f32 v8, v7;
	v4 =	vld [tilespmem:s0+$0x7BA0]  }
0x1c8: {  	s6 =	sadd.s32 $0x100, s6;
	v1 =	vld [tilespmem:s5+$0x80B0];
	v8 =	vadd.f32 v10, v11  }
0x1c9: {  	v9 =	vld [tilespmem:s5+$0x7E30]  }
0x1ca: {  	v10 =	vld [tilespmem:s5+$0x8080];
	v2 =	vadd.f32 v2, v6;
	v5 =	vmul.f32 v7, v5  }
0x1cb: {  	v55 =	vld [tilespmem:s5+$0x7930];
	v3 =	vmul.f32 v8, v3  }
0x1cc: {  	v11 =	vld [tilespmem:s5+$0x7E00];
	[tilespmem:s0+$0x7680] =	vst v5;
	v2 =	vmul.f32 v2, v4  }
0x1cd: {  	v5 =	vld [tilespmem:s5+$0x7BB0];
	[tilespmem:s0+$0x7690] =	vst v3  }
0x1ce: {  	v3 =	vld [tilespmem:s5+$0x8090];
	[tilespmem:s0+$0x76A0] =	vst v2  }
0x1cf: {  	v1 =	vadd.f32 v9, v1;
	v2 =	vld [tilespmem:s5+$0x7E10]  }
0x1d0: {  	v56 =	vld [tilespmem:s5+$0x80A0]  }
0x1d1: {  	v57 =	vld [tilespmem:s5+$0x7E20];
	v1 =	vadd.f32 v55, v1  }
0x1d2: {  	v58 =	vld [tilespmem:s5+$0x7900]  }
0x1d3: {  	v59 =	vld [tilespmem:s5+$0x7910];
	v1 =	vmul.f32 v1, v5  }
0x1d4: {  	v60 =	vld [tilespmem:s5+$0x7920]  }
0x1d5: {  	[tilespmem:s5+$0x76B0] =	vst v1;
	v1 =	vld [tilespmem:s5+$0x7B80]  }
0x1d6: {  	v61 =	vadd.f32 v11, v10;
	v62 =	vld [tilespmem:s5+$0x7B90]  }
0x1d7: {  	v2 =	vadd.f32 v2, v3;
	v3 =	vld [tilespmem:s5+$0x7BA0]  }
0x1d8: {  	v4 =	vadd.f32 v57, v56;
	v63 =	vadd.f32 v58, v61  }
0x1d9: {  	v2 =	vadd.f32 v59, v2  }
0x1da: {  	v4 =	vadd.f32 v60, v4;
	v1 =	vmul.f32 v63, v1  }
0x1db: {  	v2 =	vmul.f32 v2, v62  }
0x1dc: {  	[tilespmem:s5+$0x7680] =	vst v1;
	v1 =	vmul.f32 v4, v3  }
0x1dd: {  	s24 =	sadd.s32 $0x1, s24;
	[tilespmem:s5+$0x7690] =	vst v2  }
0x1de: {  	p2 =	sne.s32 s24, s17;
	s0 =	simm.s32 @!p1 $0x0;
	[tilespmem:s5+$0x76A0] =	vst v1;
	s5 =	simm.s32 @!p1 $0x7680  }
0x1df: {  	[hbm4b:s16+s0] =	stream.linear.scatter @!p1 [tilespmem:s5], [sflag:$0x3], $0x280, $0x38;
	[tilespmem:$0x8A80] =	vst v63  }
.Ltmp3:
0x1e0: {  	_ = 	snop;
	(pc) =	sbr.rel @p2 .LBB2_1-.Ltmp3, $4  }
0x1e1: {  	s0 =	simm.s32 @!p1 $0x3  }
0x1e2: {  	_ =	swait.ge @!p1 [sflag:s0], $0x280  }
0x1e3: {  	[sflag:s0] =	ssyncset.done @!p1 $0x0  }
0x1e4: {  	[sflag:s0] =	ssyncadd.s32 @!p1 $0xFFFFFD80  }
0x1e5: {  	_ =	sfence.sel $0x180000  }
0x1e6: {  	[bflag:$0x0] =	sbarrier.arrive $0xFFFF  }
0x1e7: {  	_ =	strace $0x90000047  }
0x1e8: {  	s0 =	stileid.u32;
	[bflag:$0x2] =	sbarrier.arrive $0xFFFF  }
0x1e9: {  	p0 =	sne.s32 s0, $0x0;
	s0 =	rddreg [dreg:$0x4]  }
0x1ea: {  	s0 =	sadd.s32 @!p0 $0x100000, s0  }
0x1eb: {  	[sflag:s0] =	ssyncadd.tile.s32 @!p0 $0x1;
	_ =	shalt  }
.Lfunc_end2:
_tile_overlayer_lowered:
.L_overlay_start_2:
0x1ec: {  	(tag) =	ssettag $0x2  }
0x1ed: {  	s0 =	rddreg [dreg:$0x0];
	s2 =	stileid.u32  }
0x1ee: {  	s1 =	rddreg [dreg:$0x1];
	p0 =	sne.s32 s2, $0x0  }
0x1ef: {  	s3 =	rddreg [dreg:$0x2];
	[bflag:$0x3] =	sbarrier.arrive $0xFFFF;
	s2 =	simm.s32 @!p0 $0x1C03  }
0x1f0: {  	[timem:s3], [sflag:s2] =	dma.local @!p0 [hbm:s0], s1  }
0x1f1: {  	s0 =	simm.s32 @!p0 $0x3  }
0x1f2: {  	_ =	swait.ge @!p0 [sflag:s0], s1  }
0x1f3: {  	s1 =	ssub.s32 @!p0 $0x0, s1;
	[sflag:s0] =	ssyncset.done @!p0 $0x0  }
0x1f4: {  	[sflag:s0] =	ssyncadd.s32 @!p0 s1  }
0x1f5: {  	[bflag:$0x3] =	sbarrier.arrive $0xFFFF  }
0x1f6: {  	_ =	shalt  }

</sc_bundles>
